<compile_context>
chip_gen: v7x
topology: tpu7x:2x2x1
jax: 0.10.2.dev20260603
libtpu: 0.0.44.dev20260713+nightly
codegen_flags: <defaults>
</compile_context>

<pallas_src>
import functools

import jax
import jax.numpy as jnp
from jax import lax
from jax.experimental import pallas as pl
from jax.experimental.pallas import tpu as pltpu
from jax.experimental.pallas import tpu_sc as plsc

SIGMA = 1.0

_PB = 128
_K = 32
_CH = 128


def _sc_gather(T, nidx):
    E = nidx.shape[0]
    info = plsc.get_sparse_core_info()
    nw = info.num_cores * info.num_subcores
    epw = E // nw
    nit = epw // _CH
    mesh = plsc.VectorSubcoreMesh(core_axis_name="c", subcore_axis_name="s")

    @functools.partial(
        pl.kernel,
        out_type=jax.ShapeDtypeStruct((E, 128), jnp.int32),
        mesh=mesh,
        scratch_types=[
            pltpu.VMEM((_CH,), jnp.int32),
            pltpu.VMEM((_CH, 128), jnp.int32),
            pltpu.SemaphoreType.DMA,
        ],
    )
    def gather_k(t_hbm, idx_hbm, out_hbm, idx_v, rows_v, sg):
        wid = lax.axis_index("s") * info.num_cores + lax.axis_index("c")
        base = wid * epw

        def body(j, carry):
            off = base + j * _CH
            pltpu.sync_copy(idx_hbm.at[pl.ds(off, _CH)], idx_v)
            pltpu.async_copy(t_hbm.at[idx_v], rows_v, sg).wait()
            pltpu.sync_copy(rows_v, out_hbm.at[pl.ds(off, _CH)])
            return carry

        lax.fori_loop(0, nit, body, 0)

    return gather_k(T, nidx)


def _tc_body(nfp_ref, xp_ref, aux_ref, wcat_ref, whi_ref, out_ref):
    pb = out_ref.shape[0]
    u = nfp_ref[...]
    xp = xp_ref[...]
    eb = pb * _K

    nf = lax.bitcast_convert_type(
        u & jnp.int32(-65536), jnp.float32).astype(jnp.bfloat16)

    xw = lax.bitcast_convert_type(lax.shift_left(u[:, :6], 16), jnp.float32)
    nx3 = xw[:, :3] + xw[:, 3:6]
    nx16 = jnp.concatenate(
        [nx3, jnp.zeros((eb, 13), jnp.float32)], axis=1)

    rel = (nx16.reshape(pb, _K, 16) - xp[:, None, :]).reshape(eb, 16)
    sq_rel = jnp.sum(rel * rel, axis=-1, keepdims=True)
    relkp = jax.lax.dot(rel, aux_ref[...],
                        precision=jax.lax.Precision.HIGHEST,
                        preferred_element_type=jnp.float32)
    sq_d = sq_rel - 2.0 * relkp[:, :15] + aux_ref[3:4, :15]
    dist = jnp.sqrt(jnp.maximum(sq_d, 0.0) + 1e-12)
    h = jnp.maximum(0.0, 1.0 - dist / SIGMA)

    h3 = h.astype(jnp.bfloat16).reshape(pb, _K, 15)
    nf3 = nf.reshape(pb, _K, 128)
    weighted = jax.lax.dot_general(
        h3, nf3, (((1,), (1,)), ((0,), (0,))),
        preferred_element_type=jnp.float32)

    whi = weighted.astype(jnp.bfloat16)
    wres = (weighted - whi.astype(jnp.float32)).astype(jnp.bfloat16)

    acc = jnp.zeros((pb, 128), jnp.float32)
    for k in range(15):
        t = jax.lax.dot(whi[:, k, :], wcat_ref[k],
                        preferred_element_type=jnp.float32)
        acc = acc + t[:, :128] + t[:, 128:]
        acc = acc + jax.lax.dot(wres[:, k, :], whi_ref[k],
                                preferred_element_type=jnp.float32)
    out_ref[...] = acc


def _tc_compute(NFP, Xp, aux, Wcat, Whi, interpret=False):
    E = NFP.shape[0]
    npts = E // _K
    grid = (npts // _PB,)
    eb = _PB * _K
    return pl.pallas_call(
        _tc_body,
        grid=grid,
        in_specs=[
            pl.BlockSpec((eb, 128), lambda b: (b, 0)),
            pl.BlockSpec((_PB, 16), lambda b: (b, 0)),
            pl.BlockSpec((16, 16), lambda b: (0, 0)),
            pl.BlockSpec((15, 128, 256), lambda b: (0, 0, 0)),
            pl.BlockSpec((15, 128, 128), lambda b: (0, 0, 0)),
        ],
        out_specs=pl.BlockSpec((_PB, 128), lambda b: (b, 0)),
        out_shape=jax.ShapeDtypeStruct((npts, 128), jnp.float32),
        interpret=interpret,
    )(NFP, Xp, aux, Wcat, Whi)


def _build_table(X, F):
    n = X.shape[0]

    def b16(v):
        return lax.bitcast_convert_type(
            v.astype(jnp.bfloat16), jnp.uint16).astype(jnp.uint32)

    fhi = b16(F) << 16
    xhi = X.astype(jnp.bfloat16)
    xlo = X - xhi.astype(jnp.float32)
    low = jnp.concatenate(
        [b16(X), b16(xlo), jnp.zeros((n, 122), jnp.uint32)], axis=1)
    return lax.bitcast_convert_type(fhi | low, jnp.int32)


def kernel(X, F, N, kernel_points, W):
    n = X.shape[0]
    assert _CH % _PB == 0 or _PB % _CH == 0
    align = max(_PB, _CH)
    npad = ((n + align - 1) // align) * align

    Xp = jnp.pad(X, ((0, npad - n), (0, 16 - X.shape[1])))
    Npad = jnp.pad(N, ((0, npad - n), (0, 0)))
    nidx = Npad.reshape(-1)

    aux = jnp.zeros((16, 16), jnp.float32)
    aux = aux.at[:3, :15].set(kernel_points.T)
    aux = aux.at[3, :15].set(jnp.sum(kernel_points * kernel_points, axis=-1))

    Whi = W.astype(jnp.bfloat16)
    Wlo = (W - Whi.astype(jnp.float32)).astype(jnp.bfloat16)
    Wcat = jnp.concatenate([Whi, Wlo], axis=2)

    T = _build_table(X, F)
    NFP = _sc_gather(T, nidx)
    out = _tc_compute(NFP, Xp, aux, Wcat, Whi)
    return out[:n]

# --- scband reference (transcript-rebuilt; emitter-appended) ---
"""Pipeline reference for scband-kpconv-layer-23450521436528 (READ-ONLY COPY).

The authoritative reference and input builder live on the scoring server;
editing this copy changes nothing except your own understanding.
"""

import jax, jax.numpy as jnp
import numpy as np

N_PTS = 10000
D_IN = 128
D_OUT = 128
K_NEIGH = 32
K_KERNEL = 15
SIGMA = 1.0
KERNEL_RADIUS = 1.0


def _make_kernel_points(num_k, radius, dim=3):
    # Deterministic kernel point dispositions inside a ball of given radius,
    # first point at the center (standard KPConv rigid layout approximation).
    rng = np.random.RandomState(42)
    dirs = rng.randn(num_k, dim).astype(np.float32)
    dirs /= np.maximum(np.linalg.norm(dirs, axis=1, keepdims=True), 1e-6)
    radii = (rng.rand(num_k, 1).astype(np.float32)) ** (1.0 / dim)
    pts = dirs * radii * radius
    pts[0, :] = 0.0
    return jnp.asarray(pts)


def setup_inputs(seed: int = 0) -> dict:
    key = jax.random.key(seed)
    k1, k2, k3, k4 = jax.random.split(key, 4)
    X = jax.random.normal(k1, (N_PTS, 3), dtype=jnp.float32)
    F = jax.random.normal(k2, (N_PTS, D_IN), dtype=jnp.float32)
    N = jax.random.randint(k3, (N_PTS, K_NEIGH), 0, N_PTS, dtype=jnp.int32)
    W = jax.random.normal(k4, (K_KERNEL, D_IN, D_OUT), dtype=jnp.float32) * 0.05
    kernel_points = _make_kernel_points(K_KERNEL, KERNEL_RADIUS)
    return {"X": X, "F": F, "N": N, "kernel_points": kernel_points, "W": W}


def reference(X, F, N, kernel_points, W):
    # KPConv forward: for each point i with neighbors j = N[i],
    # relative positions y_ij = X[j] - X[i],
    # kernel correlation h_ij^k = max(0, 1 - ||y_ij - kp_k|| / sigma) (linear influence),
    # output f_i = sum_k ( sum_j h_ij^k * F[j] ) @ W_k
    neigh_x = jnp.take(X, N, axis=0)                     # [n, k, 3]  (gather)
    rel = neigh_x - X[:, None, :]                        # [n, k, 3]
    diff = rel[:, :, None, :] - kernel_points[None, None, :, :]  # [n, k, K, 3]
    sq_dist = jnp.sum(diff * diff, axis=-1)              # [n, k, K]
    dist = jnp.sqrt(sq_dist + 1e-12)
    h = jnp.maximum(0.0, 1.0 - dist / SIGMA)             # [n, k, K]
    neigh_f = jnp.take(F, N, axis=0)                     # [n, k, d_in] (gather)
    weighted = jnp.einsum('nkm,nkd->nmd', h, neigh_f)    # [n, K, d_in]
    out = jnp.einsum('nmd,mde->ne', weighted, W)         # [n, d_out]
    return out

if __name__ == "__main__":
    import jax
    _d = setup_inputs()
    print(jax.jit(kernel)(*tuple(_d.values())))

</pallas_src>

<mosaic_0001>
#map = affine_map<(d0, d1) -> (0, 0)>
#map1 = affine_map<(d0, d1) -> (0)>
module attributes {stable_mosaic.version = 14 : i64} {
  func.func @gather_k(%arg0: i32, %arg1: i32, %arg2: memref<10000x128xi32, #tpu.memory_space<hbm>>, %arg3: memref<323584xi32, #tpu.memory_space<hbm>>, %arg4: memref<323584x128xi32, #tpu.memory_space<hbm>>, %arg5: memref<128xi32, #tpu.memory_space<vmem>>, %arg6: memref<128x128xi32, #tpu.memory_space<vmem>>, %arg7: memref<!tpu.dma_semaphore, #tpu.memory_space<semaphore_mem>>) attributes {dimension_semantics = [#tpu.dimension_semantics<core_parallel>, #tpu.dimension_semantics<subcore_parallel>], iteration_bounds = array<i64: 2, 16>, scalar_prefetch = 0 : i64, scratch_operands = 3 : i64, tpu.core_type = #tpu.core_type<sc_vector_subcore>, window_params = [{transform_indices = #map}, {transform_indices = #map1}, {transform_indices = #map}]} {
    %mul3A = arith.constant 2 : i32
    %mul3A_0 = arith.muli %arg1, %mul3A : i32
    %add3A = arith.addi %mul3A_0, %arg0 : i32
    %mul3A_1 = arith.constant 10112 : i32
    %mul3A_2 = arith.muli %add3A, %mul3A_1 : i32
    %scan3A = arith.constant 0 : i32
    %scan3A_3 = arith.constant 0 : i32
    %scan3A_4 = arith.constant 79 : i32
    %scan3A_5 = arith.addi %scan3A_3, %scan3A_4 : i32
    %scan3A_6 = arith.constant 1 : i32
    scf.for %scan3A_8 = %scan3A_3 to %scan3A_5 step %scan3A_6  : i32 {
      %mul3A_9 = arith.constant 128 : i32
      %mul3A_10 = arith.muli %scan3A_8, %mul3A_9 : i32
      %add3A_11 = arith.addi %mul3A_2, %mul3A_10 : i32
      "tpu.region"() ({
        %run_scoped3A = tpu.sem_alloc : memref<!tpu.dma_semaphore, #tpu.memory_space<semaphore_mem>>
        %dma_start3A_16 = tpu.memref_slice %arg3[%add3A_11] : memref<323584xi32, #tpu.memory_space<hbm>> -> memref<128xi32, #tpu.memory_space<hbm>>
        %dma_start3A_17 = tpu.memref_slice %arg3[%add3A_11] : memref<323584xi32, #tpu.memory_space<hbm>> -> memref<128xi32, #tpu.memory_space<hbm>>
        tpu.enqueue_dma source(%dma_start3A_17 : memref<128xi32, #tpu.memory_space<hbm>>) target(%arg5 : memref<128xi32, #tpu.memory_space<vmem>>) target_semaphore(%run_scoped3A : memref<!tpu.dma_semaphore, #tpu.memory_space<semaphore_mem>>)
        %dma_wait3A_18 = tpu.memref_slice %arg3[%add3A_11] : memref<323584xi32, #tpu.memory_space<hbm>> -> memref<128xi32, #tpu.memory_space<hbm>>
        %dma_wait3A_19 = tpu.memref_slice %arg3[%add3A_11] : memref<323584xi32, #tpu.memory_space<hbm>> -> memref<128xi32, #tpu.memory_space<hbm>>
        tpu.wait_dma2 semaphore(%run_scoped3A : memref<!tpu.dma_semaphore, #tpu.memory_space<semaphore_mem>>) src(%dma_wait3A_19 : memref<128xi32, #tpu.memory_space<hbm>>) dst(%arg5 : memref<128xi32, #tpu.memory_space<vmem>>)
        tpu.yield
      }) : () -> ()
      %dma_start3A = arith.constant 0 : i32
      %dma_start3A_12 = arith.constant 0 : i32
      %dma_start3A_13 = tpu.memref_slice %arg2[%dma_start3A, %dma_start3A_12] : memref<10000x128xi32, #tpu.memory_space<hbm>> -> memref<10000x128xi32, #tpu.memory_space<hbm>>
      tpu.enqueue_indirect_dma source(%dma_start3A_13 : memref<10000x128xi32, #tpu.memory_space<hbm>>) target(%arg6 : memref<128x128xi32, #tpu.memory_space<vmem>>) offsets(%arg5 : memref<128xi32, #tpu.memory_space<vmem>>) semaphore(%arg7 : memref<!tpu.dma_semaphore, #tpu.memory_space<semaphore_mem>>)
      %dma_wait3A = arith.constant 0 : i32
      %dma_wait3A_14 = arith.constant 0 : i32
      %dma_wait3A_15 = tpu.memref_slice %arg2[%dma_wait3A, %dma_wait3A_14] : memref<10000x128xi32, #tpu.memory_space<hbm>> -> memref<10000x128xi32, #tpu.memory_space<hbm>>
      tpu.wait_indirect_dma semaphore(%arg7 : memref<!tpu.dma_semaphore, #tpu.memory_space<semaphore_mem>>) src(%dma_wait3A_15 : memref<10000x128xi32, #tpu.memory_space<hbm>>) dst(%arg6 : memref<128x128xi32, #tpu.memory_space<vmem>>)
      "tpu.region"() ({
        %run_scoped3A = tpu.sem_alloc : memref<!tpu.dma_semaphore, #tpu.memory_space<semaphore_mem>>
        %dma_start3A_16 = arith.constant 0 : i32
        %dma_start3A_17 = tpu.memref_slice %arg4[%add3A_11, %dma_start3A_16] : memref<323584x128xi32, #tpu.memory_space<hbm>> -> memref<128x128xi32, #tpu.memory_space<hbm>>
        %dma_start3A_18 = arith.constant 0 : i32
        %dma_start3A_19 = tpu.memref_slice %arg4[%add3A_11, %dma_start3A_18] : memref<323584x128xi32, #tpu.memory_space<hbm>> -> memref<128x128xi32, #tpu.memory_space<hbm>>
        tpu.enqueue_dma source(%arg6 : memref<128x128xi32, #tpu.memory_space<vmem>>) target(%dma_start3A_19 : memref<128x128xi32, #tpu.memory_space<hbm>>) target_semaphore(%run_scoped3A : memref<!tpu.dma_semaphore, #tpu.memory_space<semaphore_mem>>)
        %dma_wait3A_20 = arith.constant 0 : i32
        %dma_wait3A_21 = tpu.memref_slice %arg4[%add3A_11, %dma_wait3A_20] : memref<323584x128xi32, #tpu.memory_space<hbm>> -> memref<128x128xi32, #tpu.memory_space<hbm>>
        %dma_wait3A_22 = arith.constant 0 : i32
        %dma_wait3A_23 = tpu.memref_slice %arg4[%add3A_11, %dma_wait3A_22] : memref<323584x128xi32, #tpu.memory_space<hbm>> -> memref<128x128xi32, #tpu.memory_space<hbm>>
        tpu.wait_dma2 semaphore(%run_scoped3A : memref<!tpu.dma_semaphore, #tpu.memory_space<semaphore_mem>>) src(%arg6 : memref<128x128xi32, #tpu.memory_space<vmem>>) dst(%dma_wait3A_23 : memref<128x128xi32, #tpu.memory_space<hbm>>)
        tpu.yield
      }) : () -> ()
    }
    %scan3A_7 = arith.constant 79 : i32
    return
  }
}

module attributes {stable_mosaic.version = 14 : i64} {
  func.func @_tc_body(%arg0: i32, %arg1: memref<4096x128xi32, #tpu.memory_space<vmem>>, %arg2: memref<128x16xf32, #tpu.memory_space<vmem>>, %arg3: memref<16x16xf32, #tpu.memory_space<vmem>>, %arg4: memref<15x128x256xbf16, #tpu.memory_space<vmem>>, %arg5: memref<15x128x128xbf16, #tpu.memory_space<vmem>>, %arg6: memref<128x128xf32, #tpu.memory_space<vmem>>) attributes {dimension_semantics = [#tpu.dimension_semantics<arbitrary>], iteration_bounds = array<i64: 79>, scalar_prefetch = 0 : i64, scratch_operands = 0 : i64, tpu.core_type = #tpu.core_type<tc>, window_params = [{transform_indices = @transform_0, window_bounds = array<i64: 4096, 128>}, {transform_indices = @transform_1, window_bounds = array<i64: 128, 16>}, {pipeline_mode = #tpu.pipeline_mode<synchronous>, transform_indices = @transform_2, window_bounds = array<i64: 16, 16>}, {pipeline_mode = #tpu.pipeline_mode<synchronous>, transform_indices = @transform_3, window_bounds = array<i64: 15, 128, 256>}, {pipeline_mode = #tpu.pipeline_mode<synchronous>, transform_indices = @transform_4, window_bounds = array<i64: 15, 128, 128>}, {transform_indices = @transform_5, window_bounds = array<i64: 128, 128>}]} {
    %get3A = arith.constant 0 : index
    %get3A_0 = arith.constant 0 : index
    %get3A_1 = vector.load %arg1[%get3A, %get3A_0] : memref<4096x128xi32, #tpu.memory_space<vmem>>, vector<4096x128xi32>
    %get3A_2 = arith.constant 0 : index
    %get3A_3 = arith.constant 0 : index
    %get3A_4 = vector.load %arg2[%get3A_2, %get3A_3] : memref<128x16xf32, #tpu.memory_space<vmem>>, vector<128x16xf32>
    %and3A = arith.constant -65536 : i32
    %and3A_5 = vector.broadcast %and3A : i32 to vector<4096x128xi32>
    %and3A_6 = arith.andi %get3A_1, %and3A_5 : vector<4096x128xi32>
    %bitcast_convert_type3A = tpu.bitcast %and3A_6 : vector<4096x128xi32> -> vector<4096x128xf32>
    %convert_element_type3A = arith.truncf %bitcast_convert_type3A : vector<4096x128xf32> to vector<4096x128xbf16>
    %slice3A = vector.extract_strided_slice %get3A_1 {offsets = [0, 0], sizes = [4096, 6], strides = [1, 1]} : vector<4096x128xi32> to vector<4096x6xi32>
    %shift_left3A = arith.constant 16 : i32
    %shift_left3A_7 = vector.broadcast %shift_left3A : i32 to vector<4096x6xi32>
    %shift_left3A_8 = arith.shli %slice3A, %shift_left3A_7 : vector<4096x6xi32>
    %bitcast_convert_type3A_9 = tpu.bitcast %shift_left3A_8 : vector<4096x6xi32> -> vector<4096x6xf32>
    %slice3A_10 = vector.extract_strided_slice %bitcast_convert_type3A_9 {offsets = [0, 0], sizes = [4096, 3], strides = [1, 1]} : vector<4096x6xf32> to vector<4096x3xf32>
    %slice3A_11 = vector.extract_strided_slice %bitcast_convert_type3A_9 {offsets = [0, 3], sizes = [4096, 3], strides = [1, 1]} : vector<4096x6xf32> to vector<4096x3xf32>
    %add3A = arith.addf %slice3A_10, %slice3A_11 : vector<4096x3xf32>
    %broadcast_in_dim3A = arith.constant 0.000000e+00 : f32
    %broadcast_in_dim3A_12 = vector.broadcast %broadcast_in_dim3A : f32 to vector<4096x13xf32>
    %concatenate3A = tpu.concatenate %add3A, %broadcast_in_dim3A_12 in 1 : vector<4096x3xf32>, vector<4096x13xf32> -> vector<4096x16xf32>
    %reshape3A = vector.shape_cast %concatenate3A : vector<4096x16xf32> to vector<128x32x16xf32>
    %broadcast_in_dim3A_13 = vector.shape_cast %get3A_4 : vector<128x16xf32> to vector<128x1x16xf32>
    %sub3A = vector.broadcast %broadcast_in_dim3A_13 : vector<128x1x16xf32> to vector<128x32x16xf32>
    %sub3A_14 = arith.subf %reshape3A, %sub3A : vector<128x32x16xf32>
    %reshape3A_15 = vector.shape_cast %sub3A_14 : vector<128x32x16xf32> to vector<4096x16xf32>
    %mul3A = arith.mulf %reshape3A_15, %reshape3A_15 : vector<4096x16xf32>
    %reduce_sum3A = arith.constant dense<0.000000e+00> : vector<4096xf32>
    %reduce_sum3A_16 = vector.multi_reduction <add>, %mul3A, %reduce_sum3A [1] : vector<4096x16xf32> to vector<4096xf32>
    %broadcast_in_dim3A_17 = vector.shape_cast %reduce_sum3A_16 : vector<4096xf32> to vector<4096x1xf32>
    %get3A_18 = arith.constant 0 : index
    %get3A_19 = arith.constant 0 : index
    %get3A_20 = vector.load %arg3[%get3A_18, %get3A_19] : memref<16x16xf32, #tpu.memory_space<vmem>>, vector<16x16xf32>
    %dot_general3A = arith.constant dense<0.000000e+00> : vector<4096x16xf32>
    %dot_general3A_21 = tpu.matmul %reshape3A_15, %get3A_20, %dot_general3A {dimension_numbers = #tpu.dot_dimension_numbers<[1], [0], [0], [1], [0, 0, 1, 1], [], []>, precision = #tpu.contract_precision<fp32>, transpose_lhs_hint = false} : vector<4096x16xf32>, vector<16x16xf32>, vector<4096x16xf32> -> vector<4096x16xf32>
    %slice3A_22 = vector.extract_strided_slice %dot_general3A_21 {offsets = [0, 0], sizes = [4096, 15], strides = [1, 1]} : vector<4096x16xf32> to vector<4096x15xf32>
    %mul3A_23 = arith.constant 2.000000e+00 : f32
    %mul3A_24 = vector.broadcast %mul3A_23 : f32 to vector<4096x15xf32>
    %mul3A_25 = arith.mulf %mul3A_24, %slice3A_22 : vector<4096x15xf32>
    %sub3A_26 = vector.broadcast %broadcast_in_dim3A_17 : vector<4096x1xf32> to vector<4096x15xf32>
    %sub3A_27 = arith.subf %sub3A_26, %mul3A_25 : vector<4096x15xf32>
    %get3A_28 = arith.constant 3 : index
    %get3A_29 = arith.constant 0 : index
    %get3A_30 = vector.load %arg3[%get3A_28, %get3A_29] : memref<16x16xf32, #tpu.memory_space<vmem>>, vector<1x15xf32>
    %add3A_31 = vector.broadcast %get3A_30 : vector<1x15xf32> to vector<4096x15xf32>
    %add3A_32 = arith.addf %sub3A_27, %add3A_31 : vector<4096x15xf32>
    %max3A = arith.constant 0.000000e+00 : f32
    %max3A_33 = vector.broadcast %max3A : f32 to vector<4096x15xf32>
    %max3A_34 = arith.maximumf %add3A_32, %max3A_33 : vector<4096x15xf32>
    %add3A_35 = arith.constant 9.99999996E-13 : f32
    %add3A_36 = vector.broadcast %add3A_35 : f32 to vector<4096x15xf32>
    %add3A_37 = arith.addf %max3A_34, %add3A_36 : vector<4096x15xf32>
    %sqrt3A = math.sqrt %add3A_37 : vector<4096x15xf32>
    %div3A = arith.constant 1.000000e+00 : f32
    %div3A_38 = vector.broadcast %div3A : f32 to vector<4096x15xf32>
    %div3A_39 = arith.divf %sqrt3A, %div3A_38 : vector<4096x15xf32>
    %sub3A_40 = arith.constant 1.000000e+00 : f32
    %sub3A_41 = vector.broadcast %sub3A_40 : f32 to vector<4096x15xf32>
    %sub3A_42 = arith.subf %sub3A_41, %div3A_39 : vector<4096x15xf32>
    %max3A_43 = arith.constant 0.000000e+00 : f32
    %max3A_44 = vector.broadcast %max3A_43 : f32 to vector<4096x15xf32>
    %max3A_45 = arith.maximumf %max3A_44, %sub3A_42 : vector<4096x15xf32>
    %convert_element_type3A_46 = arith.truncf %max3A_45 : vector<4096x15xf32> to vector<4096x15xbf16>
    %reshape3A_47 = vector.shape_cast %convert_element_type3A_46 : vector<4096x15xbf16> to vector<128x32x15xbf16>
    %reshape3A_48 = vector.shape_cast %convert_element_type3A : vector<4096x128xbf16> to vector<128x32x128xbf16>
    %dot_general3A_49 = arith.constant dense<0.000000e+00> : vector<128x15x128xf32>
    %dot_general3A_50 = tpu.matmul %reshape3A_47, %reshape3A_48, %dot_general3A_49 {dimension_numbers = #tpu.dot_dimension_numbers<[1], [1], [2], [2], [0, 0, 0, 2, 1, 2], [0], [0]>, transpose_lhs_hint = false} : vector<128x32x15xbf16>, vector<128x32x128xbf16>, vector<128x15x128xf32> -> vector<128x15x128xf32>
    %convert_element_type3A_51 = arith.truncf %dot_general3A_50 : vector<128x15x128xf32> to vector<128x15x128xbf16>
    %convert_element_type3A_52 = arith.extf %convert_element_type3A_51 : vector<128x15x128xbf16> to vector<128x15x128xf32>
    %sub3A_53 = arith.subf %dot_general3A_50, %convert_element_type3A_52 : vector<128x15x128xf32>
    %convert_element_type3A_54 = arith.truncf %sub3A_53 : vector<128x15x128xf32> to vector<128x15x128xbf16>
    %broadcast_in_dim3A_55 = arith.constant 0.000000e+00 : f32
    %broadcast_in_dim3A_56 = vector.broadcast %broadcast_in_dim3A_55 : f32 to vector<128x128xf32>
    %slice3A_57 = vector.extract_strided_slice %convert_element_type3A_51 {offsets = [0, 0, 0], sizes = [128, 1, 128], strides = [1, 1, 1]} : vector<128x15x128xbf16> to vector<128x1x128xbf16>
    %squeeze3A = vector.shape_cast %slice3A_57 : vector<128x1x128xbf16> to vector<128x128xbf16>
    %get3A_58 = arith.constant 0 : index
    %get3A_59 = arith.constant 0 : index
    %get3A_60 = arith.constant 0 : index
    %get3A_61 = vector.load %arg4[%get3A_58, %get3A_59, %get3A_60] : memref<15x128x256xbf16, #tpu.memory_space<vmem>>, vector<1x128x256xbf16>
    %get3A_62 = vector.shape_cast %get3A_61 : vector<1x128x256xbf16> to vector<128x256xbf16>
    %dot_general3A_63 = arith.constant dense<0.000000e+00> : vector<128x256xf32>
    %dot_general3A_64 = tpu.matmul %squeeze3A, %get3A_62, %dot_general3A_63 {dimension_numbers = #tpu.dot_dimension_numbers<[1], [0], [0], [1], [0, 0, 1, 1], [], []>, transpose_lhs_hint = false} : vector<128x128xbf16>, vector<128x256xbf16>, vector<128x256xf32> -> vector<128x256xf32>
    %slice3A_65 = vector.extract_strided_slice %dot_general3A_64 {offsets = [0, 0], sizes = [128, 128], strides = [1, 1]} : vector<128x256xf32> to vector<128x128xf32>
    %add3A_66 = arith.addf %broadcast_in_dim3A_56, %slice3A_65 : vector<128x128xf32>
    %slice3A_67 = vector.extract_strided_slice %dot_general3A_64 {offsets = [0, 128], sizes = [128, 128], strides = [1, 1]} : vector<128x256xf32> to vector<128x128xf32>
    %add3A_68 = arith.addf %add3A_66, %slice3A_67 : vector<128x128xf32>
    %slice3A_69 = vector.extract_strided_slice %convert_element_type3A_54 {offsets = [0, 0, 0], sizes = [128, 1, 128], strides = [1, 1, 1]} : vector<128x15x128xbf16> to vector<128x1x128xbf16>
    %squeeze3A_70 = vector.shape_cast %slice3A_69 : vector<128x1x128xbf16> to vector<128x128xbf16>
    %get3A_71 = arith.constant 0 : index
    %get3A_72 = arith.constant 0 : index
    %get3A_73 = arith.constant 0 : index
    %get3A_74 = vector.load %arg5[%get3A_71, %get3A_72, %get3A_73] : memref<15x128x128xbf16, #tpu.memory_space<vmem>>, vector<1x128x128xbf16>
    %get3A_75 = vector.shape_cast %get3A_74 : vector<1x128x128xbf16> to vector<128x128xbf16>
    %dot_general3A_76 = arith.constant dense<0.000000e+00> : vector<128x128xf32>
    %dot_general3A_77 = tpu.matmul %squeeze3A_70, %get3A_75, %dot_general3A_76 {dimension_numbers = #tpu.dot_dimension_numbers<[1], [0], [0], [1], [0, 0, 1, 1], [], []>, transpose_lhs_hint = false} : vector<128x128xbf16>, vector<128x128xbf16>, vector<128x128xf32> -> vector<128x128xf32>
    %add3A_78 = arith.addf %add3A_68, %dot_general3A_77 : vector<128x128xf32>
    %slice3A_79 = vector.extract_strided_slice %convert_element_type3A_51 {offsets = [0, 1, 0], sizes = [128, 1, 128], strides = [1, 1, 1]} : vector<128x15x128xbf16> to vector<128x1x128xbf16>
    %squeeze3A_80 = vector.shape_cast %slice3A_79 : vector<128x1x128xbf16> to vector<128x128xbf16>
    %get3A_81 = arith.constant 1 : index
    %get3A_82 = arith.constant 0 : index
    %get3A_83 = arith.constant 0 : index
    %get3A_84 = vector.load %arg4[%get3A_81, %get3A_82, %get3A_83] : memref<15x128x256xbf16, #tpu.memory_space<vmem>>, vector<1x128x256xbf16>
    %get3A_85 = vector.shape_cast %get3A_84 : vector<1x128x256xbf16> to vector<128x256xbf16>
    %dot_general3A_86 = arith.constant dense<0.000000e+00> : vector<128x256xf32>
    %dot_general3A_87 = tpu.matmul %squeeze3A_80, %get3A_85, %dot_general3A_86 {dimension_numbers = #tpu.dot_dimension_numbers<[1], [0], [0], [1], [0, 0, 1, 1], [], []>, transpose_lhs_hint = false} : vector<128x128xbf16>, vector<128x256xbf16>, vector<128x256xf32> -> vector<128x256xf32>
    %slice3A_88 = vector.extract_strided_slice %dot_general3A_87 {offsets = [0, 0], sizes = [128, 128], strides = [1, 1]} : vector<128x256xf32> to vector<128x128xf32>
    %add3A_89 = arith.addf %add3A_78, %slice3A_88 : vector<128x128xf32>
    %slice3A_90 = vector.extract_strided_slice %dot_general3A_87 {offsets = [0, 128], sizes = [128, 128], strides = [1, 1]} : vector<128x256xf32> to vector<128x128xf32>
    %add3A_91 = arith.addf %add3A_89, %slice3A_90 : vector<128x128xf32>
    %slice3A_92 = vector.extract_strided_slice %convert_element_type3A_54 {offsets = [0, 1, 0], sizes = [128, 1, 128], strides = [1, 1, 1]} : vector<128x15x128xbf16> to vector<128x1x128xbf16>
    %squeeze3A_93 = vector.shape_cast %slice3A_92 : vector<128x1x128xbf16> to vector<128x128xbf16>
    %get3A_94 = arith.constant 1 : index
    %get3A_95 = arith.constant 0 : index
    %get3A_96 = arith.constant 0 : index
    %get3A_97 = vector.load %arg5[%get3A_94, %get3A_95, %get3A_96] : memref<15x128x128xbf16, #tpu.memory_space<vmem>>, vector<1x128x128xbf16>
    %get3A_98 = vector.shape_cast %get3A_97 : vector<1x128x128xbf16> to vector<128x128xbf16>
    %dot_general3A_99 = arith.constant dense<0.000000e+00> : vector<128x128xf32>
    %dot_general3A_100 = tpu.matmul %squeeze3A_93, %get3A_98, %dot_general3A_99 {dimension_numbers = #tpu.dot_dimension_numbers<[1], [0], [0], [1], [0, 0, 1, 1], [], []>, transpose_lhs_hint = false} : vector<128x128xbf16>, vector<128x128xbf16>, vector<128x128xf32> -> vector<128x128xf32>
    %add3A_101 = arith.addf %add3A_91, %dot_general3A_100 : vector<128x128xf32>
    %slice3A_102 = vector.extract_strided_slice %convert_element_type3A_51 {offsets = [0, 2, 0], sizes = [128, 1, 128], strides = [1, 1, 1]} : vector<128x15x128xbf16> to vector<128x1x128xbf16>
    %squeeze3A_103 = vector.shape_cast %slice3A_102 : vector<128x1x128xbf16> to vector<128x128xbf16>
    %get3A_104 = arith.constant 2 : index
    %get3A_105 = arith.constant 0 : index
    %get3A_106 = arith.constant 0 : index
    %get3A_107 = vector.load %arg4[%get3A_104, %get3A_105, %get3A_106] : memref<15x128x256xbf16, #tpu.memory_space<vmem>>, vector<1x128x256xbf16>
    %get3A_108 = vector.shape_cast %get3A_107 : vector<1x128x256xbf16> to vector<128x256xbf16>
    %dot_general3A_109 = arith.constant dense<0.000000e+00> : vector<128x256xf32>
    %dot_general3A_110 = tpu.matmul %squeeze3A_103, %get3A_108, %dot_general3A_109 {dimension_numbers = #tpu.dot_dimension_numbers<[1], [0], [0], [1], [0, 0, 1, 1], [], []>, transpose_lhs_hint = false} : vector<128x128xbf16>, vector<128x256xbf16>, vector<128x256xf32> -> vector<128x256xf32>
    %slice3A_111 = vector.extract_strided_slice %dot_general3A_110 {offsets = [0, 0], sizes = [128, 128], strides = [1, 1]} : vector<128x256xf32> to vector<128x128xf32>
    %add3A_112 = arith.addf %add3A_101, %slice3A_111 : vector<128x128xf32>
    %slice3A_113 = vector.extract_strided_slice %dot_general3A_110 {offsets = [0, 128], sizes = [128, 128], strides = [1, 1]} : vector<128x256xf32> to vector<128x128xf32>
    %add3A_114 = arith.addf %add3A_112, %slice3A_113 : vector<128x128xf32>
    %slice3A_115 = vector.extract_strided_slice %convert_element_type3A_54 {offsets = [0, 2, 0], sizes = [128, 1, 128], strides = [1, 1, 1]} : vector<128x15x128xbf16> to vector<128x1x128xbf16>
    %squeeze3A_116 = vector.shape_cast %slice3A_115 : vector<128x1x128xbf16> to vector<128x128xbf16>
    %get3A_117 = arith.constant 2 : index
    %get3A_118 = arith.constant 0 : index
    %get3A_119 = arith.constant 0 : index
    %get3A_120 = vector.load %arg5[%get3A_117, %get3A_118, %get3A_119] : memref<15x128x128xbf16, #tpu.memory_space<vmem>>, vector<1x128x128xbf16>
    %get3A_121 = vector.shape_cast %get3A_120 : vector<1x128x128xbf16> to vector<128x128xbf16>
    %dot_general3A_122 = arith.constant dense<0.000000e+00> : vector<128x128xf32>
    %dot_general3A_123 = tpu.matmul %squeeze3A_116, %get3A_121, %dot_general3A_122 {dimension_numbers = #tpu.dot_dimension_numbers<[1], [0], [0], [1], [0, 0, 1, 1], [], []>, transpose_lhs_hint = false} : vector<128x128xbf16>, vector<128x128xbf16>, vector<128x128xf32> -> vector<128x128xf32>
    %add3A_124 = arith.addf %add3A_114, %dot_general3A_123 : vector<128x128xf32>
    %slice3A_125 = vector.extract_strided_slice %convert_element_type3A_51 {offsets = [0, 3, 0], sizes = [128, 1, 128], strides = [1, 1, 1]} : vector<128x15x128xbf16> to vector<128x1x128xbf16>
    %squeeze3A_126 = vector.shape_cast %slice3A_125 : vector<128x1x128xbf16> to vector<128x128xbf16>
    %get3A_127 = arith.constant 3 : index
    %get3A_128 = arith.constant 0 : index
    %get3A_129 = arith.constant 0 : index
    %get3A_130 = vector.load %arg4[%get3A_127, %get3A_128, %get3A_129] : memref<15x128x256xbf16, #tpu.memory_space<vmem>>, vector<1x128x256xbf16>
    %get3A_131 = vector.shape_cast %get3A_130 : vector<1x128x256xbf16> to vector<128x256xbf16>
    %dot_general3A_132 = arith.constant dense<0.000000e+00> : vector<128x256xf32>
    %dot_general3A_133 = tpu.matmul %squeeze3A_126, %get3A_131, %dot_general3A_132 {dimension_numbers = #tpu.dot_dimension_numbers<[1], [0], [0], [1], [0, 0, 1, 1], [], []>, transpose_lhs_hint = false} : vector<128x128xbf16>, vector<128x256xbf16>, vector<128x256xf32> -> vector<128x256xf32>
    %slice3A_134 = vector.extract_strided_slice %dot_general3A_133 {offsets = [0, 0], sizes = [128, 128], strides = [1, 1]} : vector<128x256xf32> to vector<128x128xf32>
    %add3A_135 = arith.addf %add3A_124, %slice3A_134 : vector<128x128xf32>
    %slice3A_136 = vector.extract_strided_slice %dot_general3A_133 {offsets = [0, 128], sizes = [128, 128], strides = [1, 1]} : vector<128x256xf32> to vector<128x128xf32>
    %add3A_137 = arith.addf %add3A_135, %slice3A_136 : vector<128x128xf32>
    %slice3A_138 = vector.extract_strided_slice %convert_element_type3A_54 {offsets = [0, 3, 0], sizes = [128, 1, 128], strides = [1, 1, 1]} : vector<128x15x128xbf16> to vector<128x1x128xbf16>
    %squeeze3A_139 = vector.shape_cast %slice3A_138 : vector<128x1x128xbf16> to vector<128x128xbf16>
    %get3A_140 = arith.constant 3 : index
    %get3A_141 = arith.constant 0 : index
    %get3A_142 = arith.constant 0 : index
    %get3A_143 = vector.load %arg5[%get3A_140, %get3A_141, %get3A_142] : memref<15x128x128xbf16, #tpu.memory_space<vmem>>, vector<1x128x128xbf16>
    %get3A_144 = vector.shape_cast %get3A_143 : vector<1x128x128xbf16> to vector<128x128xbf16>
    %dot_general3A_145 = arith.constant dense<0.000000e+00> : vector<128x128xf32>
    %dot_general3A_146 = tpu.matmul %squeeze3A_139, %get3A_144, %dot_general3A_145 {dimension_numbers = #tpu.dot_dimension_numbers<[1], [0], [0], [1], [0, 0, 1, 1], [], []>, transpose_lhs_hint = false} : vector<128x128xbf16>, vector<128x128xbf16>, vector<128x128xf32> -> vector<128x128xf32>
    %add3A_147 = arith.addf %add3A_137, %dot_general3A_146 : vector<128x128xf32>
    %slice3A_148 = vector.extract_strided_slice %convert_element_type3A_51 {offsets = [0, 4, 0], sizes = [128, 1, 128], strides = [1, 1, 1]} : vector<128x15x128xbf16> to vector<128x1x128xbf16>
    %squeeze3A_149 = vector.shape_cast %slice3A_148 : vector<128x1x128xbf16> to vector<128x128xbf16>
    %get3A_150 = arith.constant 4 : index
    %get3A_151 = arith.constant 0 : index
    %get3A_152 = arith.constant 0 : index
    %get3A_153 = vector.load %arg4[%get3A_150, %get3A_151, %get3A_152] : memref<15x128x256xbf16, #tpu.memory_space<vmem>>, vector<1x128x256xbf16>
    %get3A_154 = vector.shape_cast %get3A_153 : vector<1x128x256xbf16> to vector<128x256xbf16>
    %dot_general3A_155 = arith.constant dense<0.000000e+00> : vector<128x256xf32>
    %dot_general3A_156 = tpu.matmul %squeeze3A_149, %get3A_154, %dot_general3A_155 {dimension_numbers = #tpu.dot_dimension_numbers<[1], [0], [0], [1], [0, 0, 1, 1], [], []>, transpose_lhs_hint = false} : vector<128x128xbf16>, vector<128x256xbf16>, vector<128x256xf32> -> vector<128x256xf32>
    %slice3A_157 = vector.extract_strided_slice %dot_general3A_156 {offsets = [0, 0], sizes = [128, 128], strides = [1, 1]} : vector<128x256xf32> to vector<128x128xf32>
    %add3A_158 = arith.addf %add3A_147, %slice3A_157 : vector<128x128xf32>
    %slice3A_159 = vector.extract_strided_slice %dot_general3A_156 {offsets = [0, 128], sizes = [128, 128], strides = [1, 1]} : vector<128x256xf32> to vector<128x128xf32>
    %add3A_160 = arith.addf %add3A_158, %slice3A_159 : vector<128x128xf32>
    %slice3A_161 = vector.extract_strided_slice %convert_element_type3A_54 {offsets = [0, 4, 0], sizes = [128, 1, 128], strides = [1, 1, 1]} : vector<128x15x128xbf16> to vector<128x1x128xbf16>
    %squeeze3A_162 = vector.shape_cast %slice3A_161 : vector<128x1x128xbf16> to vector<128x128xbf16>
    %get3A_163 = arith.constant 4 : index
    %get3A_164 = arith.constant 0 : index
    %get3A_165 = arith.constant 0 : index
    %get3A_166 = vector.load %arg5[%get3A_163, %get3A_164, %get3A_165] : memref<15x128x128xbf16, #tpu.memory_space<vmem>>, vector<1x128x128xbf16>
    %get3A_167 = vector.shape_cast %get3A_166 : vector<1x128x128xbf16> to vector<128x128xbf16>
    %dot_general3A_168 = arith.constant dense<0.000000e+00> : vector<128x128xf32>
    %dot_general3A_169 = tpu.matmul %squeeze3A_162, %get3A_167, %dot_general3A_168 {dimension_numbers = #tpu.dot_dimension_numbers<[1], [0], [0], [1], [0, 0, 1, 1], [], []>, transpose_lhs_hint = false} : vector<128x128xbf16>, vector<128x128xbf16>, vector<128x128xf32> -> vector<128x128xf32>
    %add3A_170 = arith.addf %add3A_160, %dot_general3A_169 : vector<128x128xf32>
    %slice3A_171 = vector.extract_strided_slice %convert_element_type3A_51 {offsets = [0, 5, 0], sizes = [128, 1, 128], strides = [1, 1, 1]} : vector<128x15x128xbf16> to vector<128x1x128xbf16>
    %squeeze3A_172 = vector.shape_cast %slice3A_171 : vector<128x1x128xbf16> to vector<128x128xbf16>
    %get3A_173 = arith.constant 5 : index
    %get3A_174 = arith.constant 0 : index
    %get3A_175 = arith.constant 0 : index
    %get3A_176 = vector.load %arg4[%get3A_173, %get3A_174, %get3A_175] : memref<15x128x256xbf16, #tpu.memory_space<vmem>>, vector<1x128x256xbf16>
    %get3A_177 = vector.shape_cast %get3A_176 : vector<1x128x256xbf16> to vector<128x256xbf16>
    %dot_general3A_178 = arith.constant dense<0.000000e+00> : vector<128x256xf32>
    %dot_general3A_179 = tpu.matmul %squeeze3A_172, %get3A_177, %dot_general3A_178 {dimension_numbers = #tpu.dot_dimension_numbers<[1], [0], [0], [1], [0, 0, 1, 1], [], []>, transpose_lhs_hint = false} : vector<128x128xbf16>, vector<128x256xbf16>, vector<128x256xf32> -> vector<128x256xf32>
    %slice3A_180 = vector.extract_strided_slice %dot_general3A_179 {offsets = [0, 0], sizes = [128, 128], strides = [1, 1]} : vector<128x256xf32> to vector<128x128xf32>
    %add3A_181 = arith.addf %add3A_170, %slice3A_180 : vector<128x128xf32>
    %slice3A_182 = vector.extract_strided_slice %dot_general3A_179 {offsets = [0, 128], sizes = [128, 128], strides = [1, 1]} : vector<128x256xf32> to vector<128x128xf32>
    %add3A_183 = arith.addf %add3A_181, %slice3A_182 : vector<128x128xf32>
    %slice3A_184 = vector.extract_strided_slice %convert_element_type3A_54 {offsets = [0, 5, 0], sizes = [128, 1, 128], strides = [1, 1, 1]} : vector<128x15x128xbf16> to vector<128x1x128xbf16>
    %squeeze3A_185 = vector.shape_cast %slice3A_184 : vector<128x1x128xbf16> to vector<128x128xbf16>
    %get3A_186 = arith.constant 5 : index
    %get3A_187 = arith.constant 0 : index
    %get3A_188 = arith.constant 0 : index
    %get3A_189 = vector.load %arg5[%get3A_186, %get3A_187, %get3A_188] : memref<15x128x128xbf16, #tpu.memory_space<vmem>>, vector<1x128x128xbf16>
    %get3A_190 = vector.shape_cast %get3A_189 : vector<1x128x128xbf16> to vector<128x128xbf16>
    %dot_general3A_191 = arith.constant dense<0.000000e+00> : vector<128x128xf32>
    %dot_general3A_192 = tpu.matmul %squeeze3A_185, %get3A_190, %dot_general3A_191 {dimension_numbers = #tpu.dot_dimension_numbers<[1], [0], [0], [1], [0, 0, 1, 1], [], []>, transpose_lhs_hint = false} : vector<128x128xbf16>, vector<128x128xbf16>, vector<128x128xf32> -> vector<128x128xf32>
    %add3A_193 = arith.addf %add3A_183, %dot_general3A_192 : vector<128x128xf32>
    %slice3A_194 = vector.extract_strided_slice %convert_element_type3A_51 {offsets = [0, 6, 0], sizes = [128, 1, 128], strides = [1, 1, 1]} : vector<128x15x128xbf16> to vector<128x1x128xbf16>
    %squeeze3A_195 = vector.shape_cast %slice3A_194 : vector<128x1x128xbf16> to vector<128x128xbf16>
    %get3A_196 = arith.constant 6 : index
    %get3A_197 = arith.constant 0 : index
    %get3A_198 = arith.constant 0 : index
    %get3A_199 = vector.load %arg4[%get3A_196, %get3A_197, %get3A_198] : memref<15x128x256xbf16, #tpu.memory_space<vmem>>, vector<1x128x256xbf16>
    %get3A_200 = vector.shape_cast %get3A_199 : vector<1x128x256xbf16> to vector<128x256xbf16>
    %dot_general3A_201 = arith.constant dense<0.000000e+00> : vector<128x256xf32>
    %dot_general3A_202 = tpu.matmul %squeeze3A_195, %get3A_200, %dot_general3A_201 {dimension_numbers = #tpu.dot_dimension_numbers<[1], [0], [0], [1], [0, 0, 1, 1], [], []>, transpose_lhs_hint = false} : vector<128x128xbf16>, vector<128x256xbf16>, vector<128x256xf32> -> vector<128x256xf32>
    %slice3A_203 = vector.extract_strided_slice %dot_general3A_202 {offsets = [0, 0], sizes = [128, 128], strides = [1, 1]} : vector<128x256xf32> to vector<128x128xf32>
    %add3A_204 = arith.addf %add3A_193, %slice3A_203 : vector<128x128xf32>
    %slice3A_205 = vector.extract_strided_slice %dot_general3A_202 {offsets = [0, 128], sizes = [128, 128], strides = [1, 1]} : vector<128x256xf32> to vector<128x128xf32>
    %add3A_206 = arith.addf %add3A_204, %slice3A_205 : vector<128x128xf32>
    %slice3A_207 = vector.extract_strided_slice %convert_element_type3A_54 {offsets = [0, 6, 0], sizes = [128, 1, 128], strides = [1, 1, 1]} : vector<128x15x128xbf16> to vector<128x1x128xbf16>
    %squeeze3A_208 = vector.shape_cast %slice3A_207 : vector<128x1x128xbf16> to vector<128x128xbf16>
    %get3A_209 = arith.constant 6 : index
    %get3A_210 = arith.constant 0 : index
    %get3A_211 = arith.constant 0 : index
    %get3A_212 = vector.load %arg5[%get3A_209, %get3A_210, %get3A_211] : memref<15x128x128xbf16, #tpu.memory_space<vmem>>, vector<1x128x128xbf16>
    %get3A_213 = vector.shape_cast %get3A_212 : vector<1x128x128xbf16> to vector<128x128xbf16>
    %dot_general3A_214 = arith.constant dense<0.000000e+00> : vector<128x128xf32>
    %dot_general3A_215 = tpu.matmul %squeeze3A_208, %get3A_213, %dot_general3A_214 {dimension_numbers = #tpu.dot_dimension_numbers<[1], [0], [0], [1], [0, 0, 1, 1], [], []>, transpose_lhs_hint = false} : vector<128x128xbf16>, vector<128x128xbf16>, vector<128x128xf32> -> vector<128x128xf32>
    %add3A_216 = arith.addf %add3A_206, %dot_general3A_215 : vector<128x128xf32>
    %slice3A_217 = vector.extract_strided_slice %convert_element_type3A_51 {offsets = [0, 7, 0], sizes = [128, 1, 128], strides = [1, 1, 1]} : vector<128x15x128xbf16> to vector<128x1x128xbf16>
    %squeeze3A_218 = vector.shape_cast %slice3A_217 : vector<128x1x128xbf16> to vector<128x128xbf16>
    %get3A_219 = arith.constant 7 : index
    %get3A_220 = arith.constant 0 : index
    %get3A_221 = arith.constant 0 : index
    %get3A_222 = vector.load %arg4[%get3A_219, %get3A_220, %get3A_221] : memref<15x128x256xbf16, #tpu.memory_space<vmem>>, vector<1x128x256xbf16>
    %get3A_223 = vector.shape_cast %get3A_222 : vector<1x128x256xbf16> to vector<128x256xbf16>
    %dot_general3A_224 = arith.constant dense<0.000000e+00> : vector<128x256xf32>
    %dot_general3A_225 = tpu.matmul %squeeze3A_218, %get3A_223, %dot_general3A_224 {dimension_numbers = #tpu.dot_dimension_numbers<[1], [0], [0], [1], [0, 0, 1, 1], [], []>, transpose_lhs_hint = false} : vector<128x128xbf16>, vector<128x256xbf16>, vector<128x256xf32> -> vector<128x256xf32>
    %slice3A_226 = vector.extract_strided_slice %dot_general3A_225 {offsets = [0, 0], sizes = [128, 128], strides = [1, 1]} : vector<128x256xf32> to vector<128x128xf32>
    %add3A_227 = arith.addf %add3A_216, %slice3A_226 : vector<128x128xf32>
    %slice3A_228 = vector.extract_strided_slice %dot_general3A_225 {offsets = [0, 128], sizes = [128, 128], strides = [1, 1]} : vector<128x256xf32> to vector<128x128xf32>
    %add3A_229 = arith.addf %add3A_227, %slice3A_228 : vector<128x128xf32>
    %slice3A_230 = vector.extract_strided_slice %convert_element_type3A_54 {offsets = [0, 7, 0], sizes = [128, 1, 128], strides = [1, 1, 1]} : vector<128x15x128xbf16> to vector<128x1x128xbf16>
    %squeeze3A_231 = vector.shape_cast %slice3A_230 : vector<128x1x128xbf16> to vector<128x128xbf16>
    %get3A_232 = arith.constant 7 : index
    %get3A_233 = arith.constant 0 : index
    %get3A_234 = arith.constant 0 : index
    %get3A_235 = vector.load %arg5[%get3A_232, %get3A_233, %get3A_234] : memref<15x128x128xbf16, #tpu.memory_space<vmem>>, vector<1x128x128xbf16>
    %get3A_236 = vector.shape_cast %get3A_235 : vector<1x128x128xbf16> to vector<128x128xbf16>
    %dot_general3A_237 = arith.constant dense<0.000000e+00> : vector<128x128xf32>
    %dot_general3A_238 = tpu.matmul %squeeze3A_231, %get3A_236, %dot_general3A_237 {dimension_numbers = #tpu.dot_dimension_numbers<[1], [0], [0], [1], [0, 0, 1, 1], [], []>, transpose_lhs_hint = false} : vector<128x128xbf16>, vector<128x128xbf16>, vector<128x128xf32> -> vector<128x128xf32>
    %add3A_239 = arith.addf %add3A_229, %dot_general3A_238 : vector<128x128xf32>
    %slice3A_240 = vector.extract_strided_slice %convert_element_type3A_51 {offsets = [0, 8, 0], sizes = [128, 1, 128], strides = [1, 1, 1]} : vector<128x15x128xbf16> to vector<128x1x128xbf16>
    %squeeze3A_241 = vector.shape_cast %slice3A_240 : vector<128x1x128xbf16> to vector<128x128xbf16>
    %get3A_242 = arith.constant 8 : index
    %get3A_243 = arith.constant 0 : index
    %get3A_244 = arith.constant 0 : index
    %get3A_245 = vector.load %arg4[%get3A_242, %get3A_243, %get3A_244] : memref<15x128x256xbf16, #tpu.memory_space<vmem>>, vector<1x128x256xbf16>
    %get3A_246 = vector.shape_cast %get3A_245 : vector<1x128x256xbf16> to vector<128x256xbf16>
    %dot_general3A_247 = arith.constant dense<0.000000e+00> : vector<128x256xf32>
    %dot_general3A_248 = tpu.matmul %squeeze3A_241, %get3A_246, %dot_general3A_247 {dimension_numbers = #tpu.dot_dimension_numbers<[1], [0], [0], [1], [0, 0, 1, 1], [], []>, transpose_lhs_hint = false} : vector<128x128xbf16>, vector<128x256xbf16>, vector<128x256xf32> -> vector<128x256xf32>
    %slice3A_249 = vector.extract_strided_slice %dot_general3A_248 {offsets = [0, 0], sizes = [128, 128], strides = [1, 1]} : vector<128x256xf32> to vector<128x128xf32>
    %add3A_250 = arith.addf %add3A_239, %slice3A_249 : vector<128x128xf32>
    %slice3A_251 = vector.extract_strided_slice %dot_general3A_248 {offsets = [0, 128], sizes = [128, 128], strides = [1, 1]} : vector<128x256xf32> to vector<128x128xf32>
    %add3A_252 = arith.addf %add3A_250, %slice3A_251 : vector<128x128xf32>
    %slice3A_253 = vector.extract_strided_slice %convert_element_type3A_54 {offsets = [0, 8, 0], sizes = [128, 1, 128], strides = [1, 1, 1]} : vector<128x15x128xbf16> to vector<128x1x128xbf16>
    %squeeze3A_254 = vector.shape_cast %slice3A_253 : vector<128x1x128xbf16> to vector<128x128xbf16>
    %get3A_255 = arith.constant 8 : index
    %get3A_256 = arith.constant 0 : index
    %get3A_257 = arith.constant 0 : index
    %get3A_258 = vector.load %arg5[%get3A_255, %get3A_256, %get3A_257] : memref<15x128x128xbf16, #tpu.memory_space<vmem>>, vector<1x128x128xbf16>
    %get3A_259 = vector.shape_cast %get3A_258 : vector<1x128x128xbf16> to vector<128x128xbf16>
    %dot_general3A_260 = arith.constant dense<0.000000e+00> : vector<128x128xf32>
    %dot_general3A_261 = tpu.matmul %squeeze3A_254, %get3A_259, %dot_general3A_260 {dimension_numbers = #tpu.dot_dimension_numbers<[1], [0], [0], [1], [0, 0, 1, 1], [], []>, transpose_lhs_hint = false} : vector<128x128xbf16>, vector<128x128xbf16>, vector<128x128xf32> -> vector<128x128xf32>
    %add3A_262 = arith.addf %add3A_252, %dot_general3A_261 : vector<128x128xf32>
    %slice3A_263 = vector.extract_strided_slice %convert_element_type3A_51 {offsets = [0, 9, 0], sizes = [128, 1, 128], strides = [1, 1, 1]} : vector<128x15x128xbf16> to vector<128x1x128xbf16>
    %squeeze3A_264 = vector.shape_cast %slice3A_263 : vector<128x1x128xbf16> to vector<128x128xbf16>
    %get3A_265 = arith.constant 9 : index
    %get3A_266 = arith.constant 0 : index
    %get3A_267 = arith.constant 0 : index
    %get3A_268 = vector.load %arg4[%get3A_265, %get3A_266, %get3A_267] : memref<15x128x256xbf16, #tpu.memory_space<vmem>>, vector<1x128x256xbf16>
    %get3A_269 = vector.shape_cast %get3A_268 : vector<1x128x256xbf16> to vector<128x256xbf16>
    %dot_general3A_270 = arith.constant dense<0.000000e+00> : vector<128x256xf32>
    %dot_general3A_271 = tpu.matmul %squeeze3A_264, %get3A_269, %dot_general3A_270 {dimension_numbers = #tpu.dot_dimension_numbers<[1], [0], [0], [1], [0, 0, 1, 1], [], []>, transpose_lhs_hint = false} : vector<128x128xbf16>, vector<128x256xbf16>, vector<128x256xf32> -> vector<128x256xf32>
    %slice3A_272 = vector.extract_strided_slice %dot_general3A_271 {offsets = [0, 0], sizes = [128, 128], strides = [1, 1]} : vector<128x256xf32> to vector<128x128xf32>
    %add3A_273 = arith.addf %add3A_262, %slice3A_272 : vector<128x128xf32>
    %slice3A_274 = vector.extract_strided_slice %dot_general3A_271 {offsets = [0, 128], sizes = [128, 128], strides = [1, 1]} : vector<128x256xf32> to vector<128x128xf32>
    %add3A_275 = arith.addf %add3A_273, %slice3A_274 : vector<128x128xf32>
    %slice3A_276 = vector.extract_strided_slice %convert_element_type3A_54 {offsets = [0, 9, 0], sizes = [128, 1, 128], strides = [1, 1, 1]} : vector<128x15x128xbf16> to vector<128x1x128xbf16>
    %squeeze3A_277 = vector.shape_cast %slice3A_276 : vector<128x1x128xbf16> to vector<128x128xbf16>
    %get3A_278 = arith.constant 9 : index
    %get3A_279 = arith.constant 0 : index
    %get3A_280 = arith.constant 0 : index
    %get3A_281 = vector.load %arg5[%get3A_278, %get3A_279, %get3A_280] : memref<15x128x128xbf16, #tpu.memory_space<vmem>>, vector<1x128x128xbf16>
    %get3A_282 = vector.shape_cast %get3A_281 : vector<1x128x128xbf16> to vector<128x128xbf16>
    %dot_general3A_283 = arith.constant dense<0.000000e+00> : vector<128x128xf32>
    %dot_general3A_284 = tpu.matmul %squeeze3A_277, %get3A_282, %dot_general3A_283 {dimension_numbers = #tpu.dot_dimension_numbers<[1], [0], [0], [1], [0, 0, 1, 1], [], []>, transpose_lhs_hint = false} : vector<128x128xbf16>, vector<128x128xbf16>, vector<128x128xf32> -> vector<128x128xf32>
    %add3A_285 = arith.addf %add3A_275, %dot_general3A_284 : vector<128x128xf32>
    %slice3A_286 = vector.extract_strided_slice %convert_element_type3A_51 {offsets = [0, 10, 0], sizes = [128, 1, 128], strides = [1, 1, 1]} : vector<128x15x128xbf16> to vector<128x1x128xbf16>
    %squeeze3A_287 = vector.shape_cast %slice3A_286 : vector<128x1x128xbf16> to vector<128x128xbf16>
    %get3A_288 = arith.constant 10 : index
    %get3A_289 = arith.constant 0 : index
    %get3A_290 = arith.constant 0 : index
    %get3A_291 = vector.load %arg4[%get3A_288, %get3A_289, %get3A_290] : memref<15x128x256xbf16, #tpu.memory_space<vmem>>, vector<1x128x256xbf16>
    %get3A_292 = vector.shape_cast %get3A_291 : vector<1x128x256xbf16> to vector<128x256xbf16>
    %dot_general3A_293 = arith.constant dense<0.000000e+00> : vector<128x256xf32>
    %dot_general3A_294 = tpu.matmul %squeeze3A_287, %get3A_292, %dot_general3A_293 {dimension_numbers = #tpu.dot_dimension_numbers<[1], [0], [0], [1], [0, 0, 1, 1], [], []>, transpose_lhs_hint = false} : vector<128x128xbf16>, vector<128x256xbf16>, vector<128x256xf32> -> vector<128x256xf32>
    %slice3A_295 = vector.extract_strided_slice %dot_general3A_294 {offsets = [0, 0], sizes = [128, 128], strides = [1, 1]} : vector<128x256xf32> to vector<128x128xf32>
    %add3A_296 = arith.addf %add3A_285, %slice3A_295 : vector<128x128xf32>
    %slice3A_297 = vector.extract_strided_slice %dot_general3A_294 {offsets = [0, 128], sizes = [128, 128], strides = [1, 1]} : vector<128x256xf32> to vector<128x128xf32>
    %add3A_298 = arith.addf %add3A_296, %slice3A_297 : vector<128x128xf32>
    %slice3A_299 = vector.extract_strided_slice %convert_element_type3A_54 {offsets = [0, 10, 0], sizes = [128, 1, 128], strides = [1, 1, 1]} : vector<128x15x128xbf16> to vector<128x1x128xbf16>
    %squeeze3A_300 = vector.shape_cast %slice3A_299 : vector<128x1x128xbf16> to vector<128x128xbf16>
    %get3A_301 = arith.constant 10 : index
    %get3A_302 = arith.constant 0 : index
    %get3A_303 = arith.constant 0 : index
    %get3A_304 = vector.load %arg5[%get3A_301, %get3A_302, %get3A_303] : memref<15x128x128xbf16, #tpu.memory_space<vmem>>, vector<1x128x128xbf16>
    %get3A_305 = vector.shape_cast %get3A_304 : vector<1x128x128xbf16> to vector<128x128xbf16>
    %dot_general3A_306 = arith.constant dense<0.000000e+00> : vector<128x128xf32>
    %dot_general3A_307 = tpu.matmul %squeeze3A_300, %get3A_305, %dot_general3A_306 {dimension_numbers = #tpu.dot_dimension_numbers<[1], [0], [0], [1], [0, 0, 1, 1], [], []>, transpose_lhs_hint = false} : vector<128x128xbf16>, vector<128x128xbf16>, vector<128x128xf32> -> vector<128x128xf32>
    %add3A_308 = arith.addf %add3A_298, %dot_general3A_307 : vector<128x128xf32>
    %slice3A_309 = vector.extract_strided_slice %convert_element_type3A_51 {offsets = [0, 11, 0], sizes = [128, 1, 128], strides = [1, 1, 1]} : vector<128x15x128xbf16> to vector<128x1x128xbf16>
    %squeeze3A_310 = vector.shape_cast %slice3A_309 : vector<128x1x128xbf16> to vector<128x128xbf16>
    %get3A_311 = arith.constant 11 : index
    %get3A_312 = arith.constant 0 : index
    %get3A_313 = arith.constant 0 : index
    %get3A_314 = vector.load %arg4[%get3A_311, %get3A_312, %get3A_313] : memref<15x128x256xbf16, #tpu.memory_space<vmem>>, vector<1x128x256xbf16>
    %get3A_315 = vector.shape_cast %get3A_314 : vector<1x128x256xbf16> to vector<128x256xbf16>
    %dot_general3A_316 = arith.constant dense<0.000000e+00> : vector<128x256xf32>
    %dot_general3A_317 = tpu.matmul %squeeze3A_310, %get3A_315, %dot_general3A_316 {dimension_numbers = #tpu.dot_dimension_numbers<[1], [0], [0], [1], [0, 0, 1, 1], [], []>, transpose_lhs_hint = false} : vector<128x128xbf16>, vector<128x256xbf16>, vector<128x256xf32> -> vector<128x256xf32>
    %slice3A_318 = vector.extract_strided_slice %dot_general3A_317 {offsets = [0, 0], sizes = [128, 128], strides = [1, 1]} : vector<128x256xf32> to vector<128x128xf32>
    %add3A_319 = arith.addf %add3A_308, %slice3A_318 : vector<128x128xf32>
    %slice3A_320 = vector.extract_strided_slice %dot_general3A_317 {offsets = [0, 128], sizes = [128, 128], strides = [1, 1]} : vector<128x256xf32> to vector<128x128xf32>
    %add3A_321 = arith.addf %add3A_319, %slice3A_320 : vector<128x128xf32>
    %slice3A_322 = vector.extract_strided_slice %convert_element_type3A_54 {offsets = [0, 11, 0], sizes = [128, 1, 128], strides = [1, 1, 1]} : vector<128x15x128xbf16> to vector<128x1x128xbf16>
    %squeeze3A_323 = vector.shape_cast %slice3A_322 : vector<128x1x128xbf16> to vector<128x128xbf16>
    %get3A_324 = arith.constant 11 : index
    %get3A_325 = arith.constant 0 : index
    %get3A_326 = arith.constant 0 : index
    %get3A_327 = vector.load %arg5[%get3A_324, %get3A_325, %get3A_326] : memref<15x128x128xbf16, #tpu.memory_space<vmem>>, vector<1x128x128xbf16>
    %get3A_328 = vector.shape_cast %get3A_327 : vector<1x128x128xbf16> to vector<128x128xbf16>
    %dot_general3A_329 = arith.constant dense<0.000000e+00> : vector<128x128xf32>
    %dot_general3A_330 = tpu.matmul %squeeze3A_323, %get3A_328, %dot_general3A_329 {dimension_numbers = #tpu.dot_dimension_numbers<[1], [0], [0], [1], [0, 0, 1, 1], [], []>, transpose_lhs_hint = false} : vector<128x128xbf16>, vector<128x128xbf16>, vector<128x128xf32> -> vector<128x128xf32>
    %add3A_331 = arith.addf %add3A_321, %dot_general3A_330 : vector<128x128xf32>
    %slice3A_332 = vector.extract_strided_slice %convert_element_type3A_51 {offsets = [0, 12, 0], sizes = [128, 1, 128], strides = [1, 1, 1]} : vector<128x15x128xbf16> to vector<128x1x128xbf16>
    %squeeze3A_333 = vector.shape_cast %slice3A_332 : vector<128x1x128xbf16> to vector<128x128xbf16>
    %get3A_334 = arith.constant 12 : index
    %get3A_335 = arith.constant 0 : index
    %get3A_336 = arith.constant 0 : index
    %get3A_337 = vector.load %arg4[%get3A_334, %get3A_335, %get3A_336] : memref<15x128x256xbf16, #tpu.memory_space<vmem>>, vector<1x128x256xbf16>
    %get3A_338 = vector.shape_cast %get3A_337 : vector<1x128x256xbf16> to vector<128x256xbf16>
    %dot_general3A_339 = arith.constant dense<0.000000e+00> : vector<128x256xf32>
    %dot_general3A_340 = tpu.matmul %squeeze3A_333, %get3A_338, %dot_general3A_339 {dimension_numbers = #tpu.dot_dimension_numbers<[1], [0], [0], [1], [0, 0, 1, 1], [], []>, transpose_lhs_hint = false} : vector<128x128xbf16>, vector<128x256xbf16>, vector<128x256xf32> -> vector<128x256xf32>
    %slice3A_341 = vector.extract_strided_slice %dot_general3A_340 {offsets = [0, 0], sizes = [128, 128], strides = [1, 1]} : vector<128x256xf32> to vector<128x128xf32>
    %add3A_342 = arith.addf %add3A_331, %slice3A_341 : vector<128x128xf32>
    %slice3A_343 = vector.extract_strided_slice %dot_general3A_340 {offsets = [0, 128], sizes = [128, 128], strides = [1, 1]} : vector<128x256xf32> to vector<128x128xf32>
    %add3A_344 = arith.addf %add3A_342, %slice3A_343 : vector<128x128xf32>
    %slice3A_345 = vector.extract_strided_slice %convert_element_type3A_54 {offsets = [0, 12, 0], sizes = [128, 1, 128], strides = [1, 1, 1]} : vector<128x15x128xbf16> to vector<128x1x128xbf16>
    %squeeze3A_346 = vector.shape_cast %slice3A_345 : vector<128x1x128xbf16> to vector<128x128xbf16>
    %get3A_347 = arith.constant 12 : index
    %get3A_348 = arith.constant 0 : index
    %get3A_349 = arith.constant 0 : index
    %get3A_350 = vector.load %arg5[%get3A_347, %get3A_348, %get3A_349] : memref<15x128x128xbf16, #tpu.memory_space<vmem>>, vector<1x128x128xbf16>
    %get3A_351 = vector.shape_cast %get3A_350 : vector<1x128x128xbf16> to vector<128x128xbf16>
    %dot_general3A_352 = arith.constant dense<0.000000e+00> : vector<128x128xf32>
    %dot_general3A_353 = tpu.matmul %squeeze3A_346, %get3A_351, %dot_general3A_352 {dimension_numbers = #tpu.dot_dimension_numbers<[1], [0], [0], [1], [0, 0, 1, 1], [], []>, transpose_lhs_hint = false} : vector<128x128xbf16>, vector<128x128xbf16>, vector<128x128xf32> -> vector<128x128xf32>
    %add3A_354 = arith.addf %add3A_344, %dot_general3A_353 : vector<128x128xf32>
    %slice3A_355 = vector.extract_strided_slice %convert_element_type3A_51 {offsets = [0, 13, 0], sizes = [128, 1, 128], strides = [1, 1, 1]} : vector<128x15x128xbf16> to vector<128x1x128xbf16>
    %squeeze3A_356 = vector.shape_cast %slice3A_355 : vector<128x1x128xbf16> to vector<128x128xbf16>
    %get3A_357 = arith.constant 13 : index
    %get3A_358 = arith.constant 0 : index
    %get3A_359 = arith.constant 0 : index
    %get3A_360 = vector.load %arg4[%get3A_357, %get3A_358, %get3A_359] : memref<15x128x256xbf16, #tpu.memory_space<vmem>>, vector<1x128x256xbf16>
    %get3A_361 = vector.shape_cast %get3A_360 : vector<1x128x256xbf16> to vector<128x256xbf16>
    %dot_general3A_362 = arith.constant dense<0.000000e+00> : vector<128x256xf32>
    %dot_general3A_363 = tpu.matmul %squeeze3A_356, %get3A_361, %dot_general3A_362 {dimension_numbers = #tpu.dot_dimension_numbers<[1], [0], [0], [1], [0, 0, 1, 1], [], []>, transpose_lhs_hint = false} : vector<128x128xbf16>, vector<128x256xbf16>, vector<128x256xf32> -> vector<128x256xf32>
    %slice3A_364 = vector.extract_strided_slice %dot_general3A_363 {offsets = [0, 0], sizes = [128, 128], strides = [1, 1]} : vector<128x256xf32> to vector<128x128xf32>
    %add3A_365 = arith.addf %add3A_354, %slice3A_364 : vector<128x128xf32>
    %slice3A_366 = vector.extract_strided_slice %dot_general3A_363 {offsets = [0, 128], sizes = [128, 128], strides = [1, 1]} : vector<128x256xf32> to vector<128x128xf32>
    %add3A_367 = arith.addf %add3A_365, %slice3A_366 : vector<128x128xf32>
    %slice3A_368 = vector.extract_strided_slice %convert_element_type3A_54 {offsets = [0, 13, 0], sizes = [128, 1, 128], strides = [1, 1, 1]} : vector<128x15x128xbf16> to vector<128x1x128xbf16>
    %squeeze3A_369 = vector.shape_cast %slice3A_368 : vector<128x1x128xbf16> to vector<128x128xbf16>
    %get3A_370 = arith.constant 13 : index
    %get3A_371 = arith.constant 0 : index
    %get3A_372 = arith.constant 0 : index
    %get3A_373 = vector.load %arg5[%get3A_370, %get3A_371, %get3A_372] : memref<15x128x128xbf16, #tpu.memory_space<vmem>>, vector<1x128x128xbf16>
    %get3A_374 = vector.shape_cast %get3A_373 : vector<1x128x128xbf16> to vector<128x128xbf16>
    %dot_general3A_375 = arith.constant dense<0.000000e+00> : vector<128x128xf32>
    %dot_general3A_376 = tpu.matmul %squeeze3A_369, %get3A_374, %dot_general3A_375 {dimension_numbers = #tpu.dot_dimension_numbers<[1], [0], [0], [1], [0, 0, 1, 1], [], []>, transpose_lhs_hint = false} : vector<128x128xbf16>, vector<128x128xbf16>, vector<128x128xf32> -> vector<128x128xf32>
    %add3A_377 = arith.addf %add3A_367, %dot_general3A_376 : vector<128x128xf32>
    %slice3A_378 = vector.extract_strided_slice %convert_element_type3A_51 {offsets = [0, 14, 0], sizes = [128, 1, 128], strides = [1, 1, 1]} : vector<128x15x128xbf16> to vector<128x1x128xbf16>
    %squeeze3A_379 = vector.shape_cast %slice3A_378 : vector<128x1x128xbf16> to vector<128x128xbf16>
    %get3A_380 = arith.constant 14 : index
    %get3A_381 = arith.constant 0 : index
    %get3A_382 = arith.constant 0 : index
    %get3A_383 = vector.load %arg4[%get3A_380, %get3A_381, %get3A_382] : memref<15x128x256xbf16, #tpu.memory_space<vmem>>, vector<1x128x256xbf16>
    %get3A_384 = vector.shape_cast %get3A_383 : vector<1x128x256xbf16> to vector<128x256xbf16>
    %dot_general3A_385 = arith.constant dense<0.000000e+00> : vector<128x256xf32>
    %dot_general3A_386 = tpu.matmul %squeeze3A_379, %get3A_384, %dot_general3A_385 {dimension_numbers = #tpu.dot_dimension_numbers<[1], [0], [0], [1], [0, 0, 1, 1], [], []>, transpose_lhs_hint = false} : vector<128x128xbf16>, vector<128x256xbf16>, vector<128x256xf32> -> vector<128x256xf32>
    %slice3A_387 = vector.extract_strided_slice %dot_general3A_386 {offsets = [0, 0], sizes = [128, 128], strides = [1, 1]} : vector<128x256xf32> to vector<128x128xf32>
    %add3A_388 = arith.addf %add3A_377, %slice3A_387 : vector<128x128xf32>
    %slice3A_389 = vector.extract_strided_slice %dot_general3A_386 {offsets = [0, 128], sizes = [128, 128], strides = [1, 1]} : vector<128x256xf32> to vector<128x128xf32>
    %add3A_390 = arith.addf %add3A_388, %slice3A_389 : vector<128x128xf32>
    %slice3A_391 = vector.extract_strided_slice %convert_element_type3A_54 {offsets = [0, 14, 0], sizes = [128, 1, 128], strides = [1, 1, 1]} : vector<128x15x128xbf16> to vector<128x1x128xbf16>
    %squeeze3A_392 = vector.shape_cast %slice3A_391 : vector<128x1x128xbf16> to vector<128x128xbf16>
    %get3A_393 = arith.constant 14 : index
    %get3A_394 = arith.constant 0 : index
    %get3A_395 = arith.constant 0 : index
    %get3A_396 = vector.load %arg5[%get3A_393, %get3A_394, %get3A_395] : memref<15x128x128xbf16, #tpu.memory_space<vmem>>, vector<1x128x128xbf16>
    %get3A_397 = vector.shape_cast %get3A_396 : vector<1x128x128xbf16> to vector<128x128xbf16>
    %dot_general3A_398 = arith.constant dense<0.000000e+00> : vector<128x128xf32>
    %dot_general3A_399 = tpu.matmul %squeeze3A_392, %get3A_397, %dot_general3A_398 {dimension_numbers = #tpu.dot_dimension_numbers<[1], [0], [0], [1], [0, 0, 1, 1], [], []>, transpose_lhs_hint = false} : vector<128x128xbf16>, vector<128x128xbf16>, vector<128x128xf32> -> vector<128x128xf32>
    %add3A_400 = arith.addf %add3A_390, %dot_general3A_399 : vector<128x128xf32>
    %swap3A = arith.constant 0 : index
    %swap3A_401 = arith.constant 0 : index
    %swap3A_402 = vector.load %arg6[%swap3A, %swap3A_401] : memref<128x128xf32, #tpu.memory_space<vmem>>, vector<128x128xf32>
    tpu.vector_store %arg6[%swap3A, %swap3A_401], %add3A_400 {strides = array<i32>} : memref<128x128xf32, #tpu.memory_space<vmem>>, vector<128x128xf32>,
    return
  }
  func.func @transform_0(%arg0: i32) -> (i32, i32) {
    %c0_i32 = arith.constant 0 : i32
    %c0_i32_0 = arith.constant 0 : i32
    return %arg0, %c0_i32 : i32, i32
  }
  func.func @transform_1(%arg0: i32) -> (i32, i32) {
    %c0_i32 = arith.constant 0 : i32
    %c0_i32_0 = arith.constant 0 : i32
    return %arg0, %c0_i32 : i32, i32
  }
  func.func @transform_2(%arg0: i32) -> (i32, i32) {
    %c0_i32 = arith.constant 0 : i32
    %c0_i32_0 = arith.constant 0 : i32
    %c0_i32_1 = arith.constant 0 : i32
    return %c0_i32, %c0_i32_0 : i32, i32
  }
  func.func @transform_3(%arg0: i32) -> (i32, i32, i32) {
    %c0_i32 = arith.constant 0 : i32
    %c0_i32_0 = arith.constant 0 : i32
    %c0_i32_1 = arith.constant 0 : i32
    %c0_i32_2 = arith.constant 0 : i32
    return %c0_i32, %c0_i32_0, %c0_i32_1 : i32, i32, i32
  }
  func.func @transform_4(%arg0: i32) -> (i32, i32, i32) {
    %c0_i32 = arith.constant 0 : i32
    %c0_i32_0 = arith.constant 0 : i32
    %c0_i32_1 = arith.constant 0 : i32
    %c0_i32_2 = arith.constant 0 : i32
    return %c0_i32, %c0_i32_0, %c0_i32_1 : i32, i32, i32
  }
  func.func @transform_5(%arg0: i32) -> (i32, i32) {
    %c0_i32 = arith.constant 0 : i32
    %c0_i32_0 = arith.constant 0 : i32
    return %arg0, %c0_i32 : i32, i32
  }
}

</mosaic_0001>

<sc_bundles>
// kernel: kernel.4.cloned.1.call-start
scs
__scs_entry_jumppad:
0x0: {  	(pc) =	sbr.rel $0x88, $3  }
0x1: {  	(tag) =	ssettag $0x0;
	lr =	simm.s32 $0x1  }
0x2: {  	[smem:$0x3F9C] =	sst lr;
	_ =	strace $0xD0000000  }
0x3: {  	_ = 	snop  }
0x4: {  	_ = 	snop  }
0x5: {  	_ = 	snop  }
0x6: {  	_ = 	snop  }
0x7: {  	_ = 	snop  }
__scs_overlays_trampoline_lowered:
0x8: {  	[smem:$0x3FAB] =	sst s0  }
0x9: {  	[smem:$0x3FAC] =	sst s1  }
0xa: {  	[smem:$0x3FAD] =	sst s2  }
0xb: {  	[smem:$0x3FAE] =	sst s3  }
0xc: {  	[smem:$0x3FAF] =	sst s4  }
0xd: {  	[smem:$0x3FB0] =	sst s5  }
0xe: {  	[smem:$0x3FB1] =	sst s6  }
0xf: {  	[smem:$0x3FB2] =	sst s7  }
0x10: {  	[smem:$0x3FB3] =	sst s8  }
0x11: {  	[smem:$0x3FB4] =	sst s9;
	s0 =	simm.s32 @!p0 $0x0  }
0x12: {  	s1 =	sld [smem:$0x3F9A];
	s0 =	simm.s32 @p0 $0x1  }
0x13: {  	[smem:$0x3FB5] =	sst s0;
	s0 =	simm.s32 @!p1 $0x0  }
0x14: {  	s2 =	sld [smem:$0x3F99];
	s0 =	simm.s32 @p1 $0x1  }
0x15: {  	[smem:$0x3FB6] =	sst s0;
	s0 =	simm.s32 @!p2 $0x0  }
0x16: {  	s3 =	sld [smem:$0x3FDB];
	s0 =	simm.s32 @p2 $0x1  }
0x17: {  	s4 =	simm.s32 $0x1BF5;
	[smem:$0x3FB8] =	sst s0  }
0x18: {  	s0 =	sld [smem:$0x3F9B];
	_ =	swait.ge [sflag:s4], $0x0  }
0x19: {  	s7 =	sld [smem:$0x3F9C]  }
0x1a: {  	s8 =	sadd.s32 $0xFFFFE003, lr  }
0x1b: {  	s9 =	sadd.s32 $0xFFFFFEF7, lr;
	s5 =	simm.s32 $0xFFFFFFFF;
	p2 =	slt.u32 s8, $0xFFFFF086  }
0x1c: {  	p1 =	slt.u32 s9, $0xF7A;
	s5 =	simm.s32 @!p2 $0x0  }
0x1d: {  	s5 =	simm.s32 @p1 $0x1;
	p0 =	seq.s32 s7, s2  }
0x1e: {  	s7 =	smul.u32 @!p0 $0xF7A, s2;
	p2 =	seq.s32 @!p0 s5, $0x0  }
0x1f: {  	s9 =	smul.u32 $0xF7A, s1;
	s8 =	simm.s32 @!p0 $0x1BF5;
	p2 =	por !p2, p0  }
0x20: {  	[sflag:s8] =	ssyncset.s32 @!p0 $0xFFFFF086;
	s6 =	sadd.s32 @!p0 s3, s7;
	s7 =	simm.s32 @!p0 $0x108  }
0x21: {  	s3 =	sadd.s32 s3, s9;
	s6 =	sadd.s32 @!p0 $0x88, s6;
	s7 =	simm.s32 @p2 $0x1082  }
0x22: {  	[simem:s7], [sflag:s8] =	dma.local @!p0 [hbm:s6], $0xF7A  }
0x23: {  	s9 =	sor.u32 $0xD0000000, s2;
	s6 =	simm.s32 $0x108;
	_ =	swait.ge @!p0 [sflag:s8], $0x0  }
0x24: {  	s3 =	sadd.s32 $0x88, s3;
	s6 =	simm.s32 @!p1 $0x1082;
	[sflag:s4] =	ssyncset.s32 $0xFFFFF086  }
0x25: {  	[simem:s6], [sflag:s4] =	dma.local [hbm:s3], $0xF7A  }
0x26: {  	[smem:$0x3F9C] =	sst s1;
	(tag) =	ssettag s2;
	_ =	strace s9  }
0x27: {  	s1 =	sld [smem:$0x3FAC]  }
0x28: {  	s2 =	sld [smem:$0x3FAD]  }
0x29: {  	s4 =	sld [smem:$0x3FAF]  }
0x2a: {  	p0 =	seq.s32 s5, $0x0;
	s5 =	sld [smem:$0x3FB0]  }
0x2b: {  	s6 =	sld [smem:$0x3FB1]  }
0x2c: {  	s7 =	sld [smem:$0x3FB2]  }
0x2d: {  	s3 =	simm.s32 $0x108;
	s8 =	sld [smem:$0x3FB3]  }
0x2e: {  	s3 =	simm.s32 @!p0 $0x1082;
	s9 =	sld [smem:$0x3FB4]  }
0x2f: {  	lr =	sadd.s32 s0, s3;
	s0 =	sld [smem:$0x3FAB]  }
0x30: {  	s3 =	sld [smem:$0x3FAE]  }
0x31: {  	[smem:$0x3FB7] =	sst s10  }
0x32: {  	s10 =	sld [smem:$0x3FB5];
	_ =	sdelay $0x3  }
0x33: {  	p0 =	seq.s32 s10, $0x1;
	s10 =	sld [smem:$0x3FB7];
	_ =	sdelay $0x3  }
0x34: {  	[smem:$0x3FB7] =	sst s10  }
0x35: {  	s10 =	sld [smem:$0x3FB6];
	_ =	sdelay $0x3  }
0x36: {  	p1 =	seq.s32 s10, $0x1;
	s10 =	sld [smem:$0x3FB7];
	_ =	sdelay $0x3  }
0x37: {  	[smem:$0x3FB7] =	sst s10  }
0x38: {  	s10 =	sld [smem:$0x3FB8]  }
0x39: {  	_ = 	snop;
	(pc) =	sbr.ind lr, $3  }
0x3a: {  	_ = 	snop  }
0x3b: {  	_ = 	snop  }
0x3c: {  	p2 =	seq.s32 s10, $0x1;
	s10 =	sld [smem:$0x3FB7]  }
0x3d: {  	_ =	shalt  }
0x3e: {  	_ =	shalt  }
0x3f: {  	_ =	shalt  }
0x40: {  	_ =	shalt  }
0x41: {  	_ =	shalt  }
0x42: {  	_ =	shalt  }
0x43: {  	_ =	shalt  }
0x44: {  	_ =	shalt  }
0x45: {  	_ =	shalt  }
0x46: {  	_ =	shalt  }
0x47: {  	_ =	shalt  }
0x48: {  	_ =	shalt  }
0x49: {  	_ =	shalt  }
0x4a: {  	_ =	shalt  }
0x4b: {  	_ =	shalt  }
0x4c: {  	_ =	shalt  }
0x4d: {  	_ =	shalt  }
0x4e: {  	_ =	shalt  }
0x4f: {  	_ =	shalt  }
0x50: {  	_ =	shalt  }
0x51: {  	_ =	shalt  }
0x52: {  	_ =	shalt  }
0x53: {  	_ =	shalt  }
0x54: {  	_ =	shalt  }
0x55: {  	_ =	shalt  }
0x56: {  	_ =	shalt  }
0x57: {  	_ =	shalt  }
0x58: {  	_ =	shalt  }
0x59: {  	_ =	shalt  }
0x5a: {  	_ =	shalt  }
0x5b: {  	_ =	shalt  }
0x5c: {  	_ =	shalt  }
0x5d: {  	_ =	shalt  }
0x5e: {  	_ =	shalt  }
0x5f: {  	_ =	shalt  }
0x60: {  	_ =	shalt  }
0x61: {  	_ =	shalt  }
0x62: {  	_ =	shalt  }
0x63: {  	_ =	shalt  }
0x64: {  	_ =	shalt  }
0x65: {  	_ =	shalt  }
0x66: {  	_ =	shalt  }
0x67: {  	_ =	shalt  }
0x68: {  	_ =	shalt  }
0x69: {  	_ =	shalt  }
0x6a: {  	_ =	shalt  }
0x6b: {  	_ =	shalt  }
0x6c: {  	_ =	shalt  }
0x6d: {  	_ =	shalt  }
0x6e: {  	_ =	shalt  }
0x6f: {  	_ =	shalt  }
0x70: {  	_ =	shalt  }
0x71: {  	_ =	shalt  }
0x72: {  	_ =	shalt  }
0x73: {  	_ =	shalt  }
0x74: {  	_ =	shalt  }
0x75: {  	_ =	shalt  }
0x76: {  	_ =	shalt  }
0x77: {  	_ =	shalt  }
0x78: {  	_ =	shalt  }
0x79: {  	_ =	shalt  }
0x7a: {  	_ =	shalt  }
0x7b: {  	_ =	shalt  }
0x7c: {  	_ =	shalt  }
0x7d: {  	_ =	shalt  }
0x7e: {  	_ =	shalt  }
0x7f: {  	_ =	shalt  }
0x80: {  	_ =	shalt  }
0x81: {  	_ =	shalt  }
0x82: {  	_ =	shalt  }
0x83: {  	_ =	shalt  }
0x84: {  	_ =	shalt  }
0x85: {  	_ =	shalt  }
0x86: {  	_ =	shalt  }
0x87: {  	_ =	shalt  }
.Lfunc_end0:
.L_simem_size_0:
called_computation_lowered:
.L_overlay_start_0:
0x88: {  	s2 =	sld [smem:$0x3FD9]  }
0x89: {  	s3 =	sld [smem:$0x3FFE];
	_ =	sdelay $0x1  }
0x8a: {  	s1 =	srdreg.scid  }
0x8b: {  	s0 =	sand.u32 $0x1, s1  }
0x8c: {  	s17 =	sshll.u32 s0, $0xA;
	s2 =	sadd.s32 s3, s2  }
0x8d: {  	s2 =	sadd.s32 s2, s17  }
0x8e: {  	[smem:$0x3FC3] =	sst s2  }
0x8f: {  	_ = 	snop  }
0x90: {  	s2 =	sld [smem:$0x3FD0];
	(tm) =	ssettm $0x1  }
0x91: {  	s18 =	sld [smem:$0x3FFB];
	_ =	sdelay $0x3  }
0x92: {  	_ =	strace s18  }
0x93: {  	s3 =	sld [smem:$0x3FFC];
	_ =	sdelay $0x3  }
0x94: {  	_ =	strace s3  }
0x95: {  	s3 =	sld [smem:$0x3FFD];
	_ =	sdelay $0x3  }
0x96: {  	_ =	strace s3  }
0x97: {  	_ =	strace $0x8FFFFFFF  }
0x98: {  	s19 =	sld [smem:$0x3FDB];
	_ =	sdelay $0x1  }
0x99: {  	s4 =	simm.s32 $_scs_section_size  }
0x9a: {  	s5 =	simm.s32 $_size__tile_overlayer_lowered;
	s6 =	simm.s32 $_tile_overlayer_lowered  }
0x9b: {  	s22 =	simm.s32 $0x1BFF;
	s21 =	sshll.u32 s6, $0x1;
	s3 =	sadd.s32 s4, s19  }
0x9c: {  	s7 =	simm.s32 $0x0;
	s20 =	sshll.u32 s5, $0x1;
	s5 =	sadd.s32 s21, s3  }
0x9d: {  	[timem:s7], [sflag:s22] =	dma.local [hbm:s5], s20  }
0x9e: {  	_ =	swait.ge [sflag:s22], s20  }
0x9f: {  	s4 =	ssub.s32 $0x0, s20;
	[sflag:s22] =	ssyncset.done $0x0  }
0xa0: {  	[sflag:s22] =	ssyncadd.s32 s4;
	_ =	sdelay $0x1  }
0xa1: {  	s23 =	simm.s32 $0x1B8B  }
0xa2: {  	_ =	swait.ge [sflag:s23], $0x1  }
0xa3: {  	[sflag:s23] =	ssyncset.done $0x0  }
0xa4: {  	s25 =	simm.s32 $0x1B8E;
	s24 =	sld [smem:$0x3FFE];
	[sflag:s23] =	ssyncadd.s32 $0xFFFFFFFF  }
0xa5: {  	s26 =	simm.s32 $execute0_lowered;
	[smem:$0x3FD2] =	sst s25  }
0xa6: {  	s5 =	sshll.u32 s26, $0x1;
	_ =	strace $0x80000046;
	[dreg:$0x1] =	wrdreg $0xFFFFFFFF  }
0xa7: {  	s28 =	simm.s32 $_size_execute0_lowered;
	s3 =	sadd.s32 s3, s5;
	[dreg:$0x0] =	wrdreg $0x0  }
0xa8: {  	s5 =	sshll.u32 s28, $0x1;
	[dreg:$0x2] =	wrdreg s3  }
0xa9: {  	[dreg:$0x3] =	wrdreg s5  }
0xaa: {  	[dreg:$0x4] =	wrdreg $0xC0  }
0xab: {  	_ =	task [dreg:s7], $0x5FFFF  }
0xac: {  	[dreg:$0x1] =	wrdreg $0xFFFFFFFF  }
0xad: {  	[dreg:$0x0] =	wrdreg $0x60  }
0xae: {  	[dreg:$0x2] =	wrdreg s2  }
0xaf: {  	[dreg:$0x3] =	wrdreg s24  }
0xb0: {  	[dreg:$0x4] =	wrdreg $0x9  }
0xb1: {  	_ =	task.clear_ibuf [dreg:s7], $0x5FFFF;
	_ =	strace $0x90000046  }
0xb2: {  	s29 =	simm.s32 $0x9;
	_ =	strace $0x80000048  }
0xb3: {  	_ =	swait.ge [sflag:s29], $0x1  }
0xb4: {  	[sflag:s29] =	ssyncadd.s32 $0xFFFFFFFF  }
0xb5: {  	_ =	strace $0x90000048  }
0xb6: {  	_ =	sfence  }
0xb7: {  	s30 =	sld [smem:$0x0];
	_ =	sdelay $0x2  }
0xb8: {  	s31 =	sshll.u32 s1, $0xD;
	s1 =	sshrl.u32 s1, $0x2  }
0xb9: {  	s3 =	sand.u32 $0x4000, s31;
	s1 =	sadd.s32 s1, s30  }
0xba: {  	s0 =	sor.u32 s3, s0;
	s1 =	sshll.u32 s1, $0x11  }
0xbb: {  	s0 =	sor.u32 s1, s0  }
0xbc: {  	s0 =	sadd.s32 $0x8F2B, s0  }
0xbd: {  	[sflag:s0] =	ssyncadd.remote.s32 $0x1  }
0xbe: {  	_ =	sfence.sel $0xFFFF  }
0xbf: {  	[dreg:$0x0] =	wrdreg $0xFFFFFFFF;
	(pc) =	sbr.abs _section_cstart, $3  }
0xc0: {  	[dreg:$0x1] =	wrdreg $0xFFFFFFFF  }
0xc1: {  	_ =	task.clear_ibuf [dreg:s7], $0x2FFFF;
	_ =	strace $0x9FFFFFFF  }
0xc2: {  	(tm) =	ssettm $0x7FFFFFFF  }
0xc3: {  	_ =	shalt  }
tec
execute0_lowered:
.L_overlay_start_1:
0x0: {  	(tag) =	ssettag $0x1  }
0x1: {  	s2 =	rddreg [dreg:$0x0]  }
0x2: {  	s4 =	rddreg [dreg:$0x1]  }
0x3: {  	s0 =	rddreg [dreg:$0x2];
	s1 =	stileid.u32  }
0x4: {  	s5 =	srdreg.scid;
	s3 =	simm.s32 $0x0;
	s6 =	smul.u32 $0x4F00, s1  }
0x5: {  	s10 =	simm.s32 $0x0;
	s5 =	sand.u32 $0x1, s5;
	s8 =	smul.u32 $0x4F000, s1  }
0x6: {  	[smem:$0x7FF] =	sst s3;
	s7 =	smul.u32 $0x2780, s5;
	s9 =	ssub.s32 $0x2, s5  }
0x7: {  	_ =	strace $0x80000047;
	s5 =	smul.u32 $0x27800, s5;
	s31 =	sshrl.u32 s9, $0x1  }
0x8: {  	s8 =	sadd.s32 s8, s4;
	s6 =	sadd.s32 s7, s6;
	s7 =	ssub.s32 s9, s31  }
0x9: {  	s5 =	sadd.s32 s5, s8;
	s8 =	simm.s32 $0x80;
	s6 =	sshrl.u32 s6, $0x3  }
0xa: {  	s9 =	simm.s32 $0x1;
	s5 =	sadd.s32 $0xB200, s5;
	s6 =	sadd.s32 s6, s4  }
0xb: {  	s4 =	smax.u32 s7, $0x1;
	s7 =	simm.s32 $0x2;
	s6 =	sadd.s32 $0x1400, s6  }
.LBB2_1:
0xc: {  	s11 =	sadd.s32 $0x0, s6  }
0xd: {  	[tilespmem:s3], [sflag:$0x2] =	stream.linear.gather [hbm4b:s11+s3], $0x80, $0x38;
	[tilespmem:$0x4080] =	vst v63  }
0xe: {  	_ =	swait.ge [sflag:s7], $0x80  }
0xf: {  	[sflag:s7] =	ssyncset.done $0x0  }
0x10: {  	[sflag:s7] =	ssyncadd.s32 $0xFFFFFF80  }
0x11: {  	[tilespmem:s8], [sflag:$0x1] =	stream.indirect.gather [hbm4b:s2+s8], $0x80, s3, s8, $0xb8;
	[tilespmem:$0x4080] =	vst v63  }
0x12: {  	_ =	swait.ge [sflag:s9], $0x4000  }
0x13: {  	[sflag:s9] =	ssyncset.done $0x0  }
0x14: {  	[sflag:s9] =	ssyncadd.s32 $0xFFFFC000  }
0x15: {  	[hbm4b:s5+s3] =	stream.linear.scatter [tilespmem:s8], [sflag:$0x2], $0x4000, $0x38;
	[tilespmem:$0x4080] =	vst v63  }
0x16: {  	s12 =	simm.s32 $0x10;
	_ =	swait.ge [sflag:s7], $0x4000  }
0x17: {  	s13 =	simm.s32 $0x20;
	s11 =	sadd.s32 $0x800, s5;
	[sflag:s7] =	ssyncset.done $0x0  }
.LBB2_2:
0x18: {  	s14 =	sadd.s32 s12, s6  }
0x19: {  	[sflag:s7] =	ssyncadd.s32 $0xFFFFC000;
	s12 =	smov.u32 s13;
	s15 =	sadd.s32 $0x10, s13  }
0x1a: {  	[tilespmem:s3], [sflag:$0x2] =	stream.linear.gather [hbm4b:s14+s3], $0x80, $0x38;
	[tilespmem:$0x4080] =	vst v63  }
0x1b: {  	p0 =	sne.s32 s13, $0x4E0;
	_ =	swait.ge [sflag:s7], $0x80  }
0x1c: {  	[sflag:s7] =	ssyncset.done $0x0  }
0x1d: {  	[sflag:s7] =	ssyncadd.s32 $0xFFFFFF80  }
0x1e: {  	[tilespmem:s8], [sflag:$0x1] =	stream.indirect.gather [hbm4b:s2+s8], $0x80, s3, s8, $0xb8;
	[tilespmem:$0x4080] =	vst v63  }
0x1f: {  	_ =	swait.ge [sflag:s9], $0x4000  }
.Ltmp0:
0x20: {  	[sflag:s9] =	ssyncset.done $0x0;
	(pc) =	sbr.rel @p0 .LBB2_2-.Ltmp0, $4  }
0x21: {  	[sflag:s9] =	ssyncadd.s32 $0xFFFFC000  }
0x22: {  	[hbm4b:s11+s3] =	stream.linear.scatter [tilespmem:s8], [sflag:$0x2], $0x4000, $0x38;
	[tilespmem:$0x4080] =	vst v63  }
0x23: {  	_ =	swait.ge [sflag:s7], $0x4000  }
0x24: {  	s13 =	smov.u32 s15;
	s11 =	sadd.s32 $0x800, s11;
	[sflag:s7] =	ssyncset.done $0x0  }
0x25: {  	s12 =	sadd.s32 s12, s6;
	[sflag:s7] =	ssyncadd.s32 $0xFFFFC000  }
0x26: {  	[tilespmem:s3], [sflag:$0x2] =	stream.linear.gather [hbm4b:s12+s3], $0x80, $0x38;
	[tilespmem:$0x4080] =	vst v63  }
0x27: {  	_ =	swait.ge [sflag:s7], $0x80  }
0x28: {  	[sflag:s7] =	ssyncset.done $0x0  }
0x29: {  	[sflag:s7] =	ssyncadd.s32 $0xFFFFFF80  }
0x2a: {  	[tilespmem:s8], [sflag:$0x1] =	stream.indirect.gather [hbm4b:s2+s8], $0x80, s3, s8, $0xb8;
	[tilespmem:$0x4080] =	vst v63  }
0x2b: {  	s10 =	sadd.s32 $0x1, s10;
	_ =	swait.ge [sflag:s9], $0x4000  }
0x2c: {  	p0 =	sne.s32 s10, s4;
	[sflag:s9] =	ssyncset.done $0x0  }
.Ltmp1:
0x2d: {  	[sflag:s9] =	ssyncadd.s32 $0xFFFFC000;
	(pc) =	sbr.rel @p0 .LBB2_1-.Ltmp1, $4  }
0x2e: {  	[hbm4b:s11+s3] =	stream.linear.scatter [tilespmem:s8], [sflag:$0x2], $0x4000, $0x38;
	[tilespmem:$0x4080] =	vst v63  }
0x2f: {  	_ =	swait.ge [sflag:s7], $0x4000  }
0x30: {  	[sflag:s7] =	ssyncset.done $0x0  }
0x31: {  	[sflag:s7] =	ssyncadd.s32 $0xFFFFC000  }
0x32: {  	_ =	sfence.sel $0x180000  }
0x33: {  	[bflag:$0x0] =	sbarrier.arrive $0xFFFF  }
0x34: {  	p0 =	sne.s32 s1, $0x0;
	_ =	strace $0x90000047  }
0x35: {  	s0 =	sadd.s32 @!p0 $0x100000, s0;
	[bflag:$0x2] =	sbarrier.arrive $0xFFFF  }
0x36: {  	[sflag:s0] =	ssyncadd.tile.s32 @!p0 $0x1;
	_ =	shalt  }
.Lfunc_end2:
_tile_overlayer_lowered:
.L_overlay_start_2:
0x37: {  	(tag) =	ssettag $0x2  }
0x38: {  	s0 =	rddreg [dreg:$0x0];
	s2 =	stileid.u32  }
0x39: {  	s1 =	rddreg [dreg:$0x1];
	p0 =	sne.s32 s2, $0x0  }
0x3a: {  	s3 =	rddreg [dreg:$0x2];
	[bflag:$0x3] =	sbarrier.arrive $0xFFFF;
	s2 =	simm.s32 @!p0 $0x1C02  }
0x3b: {  	[timem:s3], [sflag:s2] =	dma.local @!p0 [hbm:s0], s1  }
0x3c: {  	s0 =	simm.s32 @!p0 $0x2  }
0x3d: {  	_ =	swait.ge @!p0 [sflag:s0], s1  }
0x3e: {  	s1 =	ssub.s32 @!p0 $0x0, s1;
	[sflag:s0] =	ssyncset.done @!p0 $0x0  }
0x3f: {  	[sflag:s0] =	ssyncadd.s32 @!p0 s1  }
0x40: {  	[bflag:$0x3] =	sbarrier.arrive $0xFFFF  }
0x41: {  	_ =	shalt  }

</sc_bundles>
